<compile_context>
chip_gen: v7x
topology: tpu7x:2x2x1
jax: 0.10.2.dev20260603
libtpu: 0.0.44.dev20260713+nightly
codegen_flags: <defaults>
</compile_context>

<pallas_src>
import jax
import jax.numpy as jnp
from jax import lax
from jax.experimental import pallas as pl

_SCORE_THRESH = 0.1
_NMS_PRE = 2048
_NMS_POST = 500
_NMS_THRESH = 0.1
_BS = 256


def _nms_body(boxes_ref, boxes_t_ref, scores_ref, out_ref):
    K = _NMS_PRE
    bt = boxes_t_ref[0]
    xt = bt[0:1, :]
    yt = bt[1:2, :]
    dxt = jnp.abs(bt[2:3, :]) + 1e-3
    dyt = jnp.abs(bt[3:4, :]) + 1e-3
    x1t = xt - dxt * 0.5
    x2t = xt + dxt * 0.5
    y1t = yt - dyt * 0.5
    y2t = yt + dyt * 0.5
    areat = dxt * dyt

    sup = jnp.zeros((1, K), jnp.float32)
    ks = []
    for b in range(K // _BS):
        c0 = b * _BS
        W = K - c0
        blk = boxes_ref[0, pl.ds(c0, _BS), :]
        x = blk[:, 0:1]
        y = blk[:, 1:2]
        dx = jnp.abs(blk[:, 2:3]) + 1e-3
        dy = jnp.abs(blk[:, 3:4]) + 1e-3
        x1 = x - dx * 0.5
        x2 = x + dx * 0.5
        y1 = y - dy * 0.5
        y2 = y + dy * 0.5
        iw = jnp.clip(jnp.minimum(x2, x2t[:, c0:]) - jnp.maximum(x1, x1t[:, c0:]), 0.0)
        ih = jnp.clip(jnp.minimum(y2, y2t[:, c0:]) - jnp.maximum(y1, y1t[:, c0:]), 0.0)
        inter = iw * ih
        area = dx * dy
        union = area + areat[:, c0:] - inter
        iou = inter / jnp.clip(union, 1e-6)
        row_i = lax.broadcasted_iota(jnp.int32, (_BS, W), 0)
        col_j = lax.broadcasted_iota(jnp.int32, (_BS, W), 1)
        s_tile = ((iou > _NMS_THRESH) & (row_i < col_j)).astype(jnp.bfloat16)

        s_bb = s_tile[:, :_BS]
        m_b = sup[:, c0:c0 + _BS] == 0.0

        def cond(carry):
            changed, _ = carry
            return changed

        def body(carry):
            _, k = carry
            sb = lax.dot_general(
                k.astype(jnp.bfloat16), s_bb,
                (((1,), (0,)), ((), ())),
                preferred_element_type=jnp.float32,
            )
            kn = jnp.where((sb > 0.0) | ~m_b, 0.0, 1.0)
            return jnp.any(kn != k), kn

        _, k_b = lax.while_loop(
            cond, body, (True, jnp.where(m_b, 1.0, 0.0))
        )
        ks.append(k_b)
        contrib = lax.dot_general(
            k_b.astype(jnp.bfloat16), s_tile,
            (((1,), (0,)), ((), ())),
            preferred_element_type=jnp.float32,
        )
        sup = sup + jnp.pad(contrib, ((0, 0), (c0, 0)))

    keep = jnp.concatenate(ks, axis=1)
    ts = scores_ref[0]
    out_ref[0] = jnp.where((keep > 0.0) & (ts > 0.0), ts, -1.0)


def _nms_pallas(boxes_pad, boxes_t, topk_scores3):
    B = boxes_pad.shape[0]
    K = _NMS_PRE
    return pl.pallas_call(
        _nms_body,
        grid=(B,),
        in_specs=[
            pl.BlockSpec((1, K, 8), lambda b: (b, 0, 0)),
            pl.BlockSpec((1, 8, K), lambda b: (b, 0, 0)),
            pl.BlockSpec((1, 1, K), lambda b: (b, 0, 0)),
        ],
        out_specs=pl.BlockSpec((1, 1, K), lambda b: (b, 0, 0)),
        out_shape=jax.ShapeDtypeStruct((B, 1, K), jnp.float32),
    )(boxes_pad, boxes_t, topk_scores3)


def kernel(batch_box_preds, batch_cls_preds):
    B = batch_box_preds.shape[0]
    cls = jax.nn.sigmoid(batch_cls_preds)
    scores = jnp.max(cls, axis=-1)
    labels = jnp.argmax(cls, axis=-1)
    scores_m = jnp.where(scores > _SCORE_THRESH, scores, -1.0)
    topk_scores, topk_idx = lax.top_k(scores_m, _NMS_PRE)
    boxes_k = jnp.take_along_axis(batch_box_preds, topk_idx[..., None], axis=1)
    labels_k = jnp.take_along_axis(labels, topk_idx, axis=1)
    boxes_pad = jnp.pad(boxes_k, ((0, 0), (0, 0), (0, 1)))
    boxes_t = jnp.transpose(boxes_pad, (0, 2, 1))
    final_m = _nms_pallas(
        boxes_pad, boxes_t, topk_scores.reshape(B, 1, _NMS_PRE)
    ).reshape(B, _NMS_PRE)
    post_scores, post_idx = lax.top_k(final_m, _NMS_POST)
    final_boxes = jnp.take_along_axis(boxes_k, post_idx[..., None], axis=1)
    final_labels = jnp.take_along_axis(labels_k, post_idx, axis=1) + 1
    return final_boxes, post_scores, final_labels

# --- scband reference (transcript-rebuilt; emitter-appended) ---
"""Pipeline reference for scband-anchorkitti-51505247813730 (READ-ONLY COPY).

The authoritative reference and input builder live on the scoring server;
editing this copy changes nothing except your own understanding.
"""

import jax, jax.numpy as jnp
import numpy as np
from jax import lax

NUM_CLASS = 3
SCORE_THRESH = 0.1
NMS_PRE = 2048
NMS_POST = 500
NMS_THRESH = 0.1
B = 4
N = 20000


def setup_inputs(seed: int = 0) -> dict:
    key = jax.random.key(seed)
    k1, k2 = jax.random.split(key)
    batch_box_preds = jax.random.uniform(k1, (B, N, 7), dtype=jnp.float32)
    batch_cls_preds = jax.random.normal(k2, (B, N, NUM_CLASS), dtype=jnp.float32)
    return {"batch_box_preds": batch_box_preds, "batch_cls_preds": batch_cls_preds}


def _pairwise_iou_bev(boxes):
    # axis-aligned BEV IoU from (x, y, dx, dy); rotation ignored (approximation of rotated BEV NMS)
    x = boxes[:, 0]
    y = boxes[:, 1]
    dx = jnp.abs(boxes[:, 2]) + 1e-3
    dy = jnp.abs(boxes[:, 3]) + 1e-3
    x1 = x - dx * 0.5
    x2 = x + dx * 0.5
    y1 = y - dy * 0.5
    y2 = y + dy * 0.5
    iw = jnp.clip(jnp.minimum(x2[:, None], x2[None, :]) - jnp.maximum(x1[:, None], x1[None, :]), 0.0)
    ih = jnp.clip(jnp.minimum(y2[:, None], y2[None, :]) - jnp.maximum(y1[:, None], y1[None, :]), 0.0)
    inter = iw * ih
    area = dx * dy
    union = area[:, None] + area[None, :] - inter
    return inter / jnp.clip(union, 1e-6)


def _nms_keep(iou):
    # greedy NMS over score-descending-sorted candidates
    K = iou.shape[0]
    idx = jnp.arange(K)

    def body(i, keep):
        sup = (iou[i] > NMS_THRESH) & keep[i] & (idx > i)
        return keep & (~sup)

    return lax.fori_loop(0, K, body, jnp.ones((K,), dtype=bool))


def _process_one(box_preds, cls_preds):
    # faithful to ANCHORKITTI.post_processing single-class-per-anchor path:
    # sigmoid -> max over classes -> score thresh -> pre-NMS topk -> NMS -> post-NMS topk
    cls = jax.nn.sigmoid(cls_preds)
    scores = jnp.max(cls, axis=-1)
    labels = jnp.argmax(cls, axis=-1)
    scores_m = jnp.where(scores > SCORE_THRESH, scores, -1.0)
    topk_scores, topk_idx = lax.top_k(scores_m, NMS_PRE)
    boxes_k = jnp.take(box_preds, topk_idx, axis=0)
    labels_k = jnp.take(labels, topk_idx, axis=0)
    iou = _pairwise_iou_bev(lax.stop_gradient(boxes_k))
    keep = _nms_keep(iou) & (topk_scores > 0)
    final_m = jnp.where(keep, topk_scores, -1.0)
    post_scores, post_idx = lax.top_k(final_m, NMS_POST)
    final_boxes = jnp.take(boxes_k, post_idx, axis=0)
    final_labels = jnp.take(labels_k, post_idx, axis=0) + 1
    return final_boxes, post_scores, final_labels


def reference(batch_box_preds, batch_cls_preds):
    pred_boxes, pred_scores, pred_labels = jax.vmap(_process_one)(batch_box_preds, batch_cls_preds)
    return pred_boxes, pred_scores, pred_labels

if __name__ == "__main__":
    import jax
    _d = setup_inputs()
    print(jax.jit(kernel)(*tuple(_d.values())))

</pallas_src>

<mosaic_0001>
module attributes {stable_mosaic.version = 14 : i64} {
  func.func @_nms_body(%arg0: i32, %arg1: memref<1x2048x8xf32, #tpu.memory_space<vmem>>, %arg2: memref<1x8x2048xf32, #tpu.memory_space<vmem>>, %arg3: memref<1x1x2048xf32, #tpu.memory_space<vmem>>, %arg4: memref<1x1x2048xf32, #tpu.memory_space<vmem>>) attributes {dimension_semantics = [#tpu.dimension_semantics<arbitrary>], iteration_bounds = array<i64: 4>, scalar_prefetch = 0 : i64, scratch_operands = 0 : i64, tpu.core_type = #tpu.core_type<tc>, window_params = [{transform_indices = @transform_0, window_bounds = array<i64: 1, 2048, 8>}, {transform_indices = @transform_1, window_bounds = array<i64: 1, 8, 2048>}, {transform_indices = @transform_2, window_bounds = array<i64: 1, 1, 2048>}, {transform_indices = @transform_3, window_bounds = array<i64: 1, 1, 2048>}]} {
    %get3A = arith.constant 0 : index
    %get3A_0 = arith.constant 0 : index
    %get3A_1 = arith.constant 0 : index
    %get3A_2 = vector.load %arg2[%get3A, %get3A_0, %get3A_1] : memref<1x8x2048xf32, #tpu.memory_space<vmem>>, vector<1x8x2048xf32>
    %get3A_3 = vector.shape_cast %get3A_2 : vector<1x8x2048xf32> to vector<8x2048xf32>
    %slice3A = vector.extract_strided_slice %get3A_3 {offsets = [0, 0], sizes = [1, 2048], strides = [1, 1]} : vector<8x2048xf32> to vector<1x2048xf32>
    %slice3A_4 = vector.extract_strided_slice %get3A_3 {offsets = [1, 0], sizes = [1, 2048], strides = [1, 1]} : vector<8x2048xf32> to vector<1x2048xf32>
    %slice3A_5 = vector.extract_strided_slice %get3A_3 {offsets = [2, 0], sizes = [1, 2048], strides = [1, 1]} : vector<8x2048xf32> to vector<1x2048xf32>
    %abs3A = math.absf %slice3A_5 : vector<1x2048xf32>
    %add3A = arith.constant 1.000000e-03 : f32
    %add3A_6 = vector.broadcast %add3A : f32 to vector<1x2048xf32>
    %add3A_7 = arith.addf %abs3A, %add3A_6 : vector<1x2048xf32>
    %slice3A_8 = vector.extract_strided_slice %get3A_3 {offsets = [3, 0], sizes = [1, 2048], strides = [1, 1]} : vector<8x2048xf32> to vector<1x2048xf32>
    %abs3A_9 = math.absf %slice3A_8 : vector<1x2048xf32>
    %add3A_10 = arith.constant 1.000000e-03 : f32
    %add3A_11 = vector.broadcast %add3A_10 : f32 to vector<1x2048xf32>
    %add3A_12 = arith.addf %abs3A_9, %add3A_11 : vector<1x2048xf32>
    %mul3A = arith.constant 5.000000e-01 : f32
    %mul3A_13 = vector.broadcast %mul3A : f32 to vector<1x2048xf32>
    %mul3A_14 = arith.mulf %add3A_7, %mul3A_13 : vector<1x2048xf32>
    %sub3A = arith.subf %slice3A, %mul3A_14 : vector<1x2048xf32>
    %mul3A_15 = arith.constant 5.000000e-01 : f32
    %mul3A_16 = vector.broadcast %mul3A_15 : f32 to vector<1x2048xf32>
    %mul3A_17 = arith.mulf %add3A_7, %mul3A_16 : vector<1x2048xf32>
    %add3A_18 = arith.addf %slice3A, %mul3A_17 : vector<1x2048xf32>
    %mul3A_19 = arith.constant 5.000000e-01 : f32
    %mul3A_20 = vector.broadcast %mul3A_19 : f32 to vector<1x2048xf32>
    %mul3A_21 = arith.mulf %add3A_12, %mul3A_20 : vector<1x2048xf32>
    %sub3A_22 = arith.subf %slice3A_4, %mul3A_21 : vector<1x2048xf32>
    %mul3A_23 = arith.constant 5.000000e-01 : f32
    %mul3A_24 = vector.broadcast %mul3A_23 : f32 to vector<1x2048xf32>
    %mul3A_25 = arith.mulf %add3A_12, %mul3A_24 : vector<1x2048xf32>
    %add3A_26 = arith.addf %slice3A_4, %mul3A_25 : vector<1x2048xf32>
    %mul3A_27 = arith.mulf %add3A_7, %add3A_12 : vector<1x2048xf32>
    %broadcast_in_dim3A = arith.constant 0.000000e+00 : f32
    %broadcast_in_dim3A_28 = vector.broadcast %broadcast_in_dim3A : f32 to vector<1x2048xf32>
    %get3A_29 = arith.constant 0 : index
    %get3A_30 = arith.constant 0 : index
    %get3A_31 = arith.constant 0 : index
    %get3A_32 = vector.load %arg1[%get3A_29, %get3A_30, %get3A_31] : memref<1x2048x8xf32, #tpu.memory_space<vmem>>, vector<1x256x8xf32>
    %get3A_33 = vector.shape_cast %get3A_32 : vector<1x256x8xf32> to vector<256x8xf32>
    %slice3A_34 = vector.extract_strided_slice %get3A_33 {offsets = [0, 0], sizes = [256, 1], strides = [1, 1]} : vector<256x8xf32> to vector<256x1xf32>
    %slice3A_35 = vector.extract_strided_slice %get3A_33 {offsets = [0, 1], sizes = [256, 1], strides = [1, 1]} : vector<256x8xf32> to vector<256x1xf32>
    %slice3A_36 = vector.extract_strided_slice %get3A_33 {offsets = [0, 2], sizes = [256, 1], strides = [1, 1]} : vector<256x8xf32> to vector<256x1xf32>
    %abs3A_37 = math.absf %slice3A_36 : vector<256x1xf32>
    %add3A_38 = arith.constant 1.000000e-03 : f32
    %add3A_39 = vector.broadcast %add3A_38 : f32 to vector<256x1xf32>
    %add3A_40 = arith.addf %abs3A_37, %add3A_39 : vector<256x1xf32>
    %slice3A_41 = vector.extract_strided_slice %get3A_33 {offsets = [0, 3], sizes = [256, 1], strides = [1, 1]} : vector<256x8xf32> to vector<256x1xf32>
    %abs3A_42 = math.absf %slice3A_41 : vector<256x1xf32>
    %add3A_43 = arith.constant 1.000000e-03 : f32
    %add3A_44 = vector.broadcast %add3A_43 : f32 to vector<256x1xf32>
    %add3A_45 = arith.addf %abs3A_42, %add3A_44 : vector<256x1xf32>
    %mul3A_46 = arith.constant 5.000000e-01 : f32
    %mul3A_47 = vector.broadcast %mul3A_46 : f32 to vector<256x1xf32>
    %mul3A_48 = arith.mulf %add3A_40, %mul3A_47 : vector<256x1xf32>
    %sub3A_49 = arith.subf %slice3A_34, %mul3A_48 : vector<256x1xf32>
    %mul3A_50 = arith.constant 5.000000e-01 : f32
    %mul3A_51 = vector.broadcast %mul3A_50 : f32 to vector<256x1xf32>
    %mul3A_52 = arith.mulf %add3A_40, %mul3A_51 : vector<256x1xf32>
    %add3A_53 = arith.addf %slice3A_34, %mul3A_52 : vector<256x1xf32>
    %mul3A_54 = arith.constant 5.000000e-01 : f32
    %mul3A_55 = vector.broadcast %mul3A_54 : f32 to vector<256x1xf32>
    %mul3A_56 = arith.mulf %add3A_45, %mul3A_55 : vector<256x1xf32>
    %sub3A_57 = arith.subf %slice3A_35, %mul3A_56 : vector<256x1xf32>
    %mul3A_58 = arith.constant 5.000000e-01 : f32
    %mul3A_59 = vector.broadcast %mul3A_58 : f32 to vector<256x1xf32>
    %mul3A_60 = arith.mulf %add3A_45, %mul3A_59 : vector<256x1xf32>
    %add3A_61 = arith.addf %slice3A_35, %mul3A_60 : vector<256x1xf32>
    %min3A = vector.broadcast %add3A_53 : vector<256x1xf32> to vector<256x2048xf32>
    %min3A_62 = vector.broadcast %add3A_18 : vector<1x2048xf32> to vector<256x2048xf32>
    %min3A_63 = arith.minimumf %min3A, %min3A_62 : vector<256x2048xf32>
    %max3A = vector.broadcast %sub3A_49 : vector<256x1xf32> to vector<256x2048xf32>
    %max3A_64 = vector.broadcast %sub3A : vector<1x2048xf32> to vector<256x2048xf32>
    %max3A_65 = arith.maximumf %max3A, %max3A_64 : vector<256x2048xf32>
    %sub3A_66 = arith.subf %min3A_63, %max3A_65 : vector<256x2048xf32>
    %jit3A = arith.constant 0.000000e+00 : f32
    %max3A_67 = vector.broadcast %jit3A : f32 to vector<256x2048xf32>
    %max3A_68 = arith.maximumf %max3A_67, %sub3A_66 : vector<256x2048xf32>
    %min3A_69 = vector.broadcast %add3A_61 : vector<256x1xf32> to vector<256x2048xf32>
    %min3A_70 = vector.broadcast %add3A_26 : vector<1x2048xf32> to vector<256x2048xf32>
    %min3A_71 = arith.minimumf %min3A_69, %min3A_70 : vector<256x2048xf32>
    %max3A_72 = vector.broadcast %sub3A_57 : vector<256x1xf32> to vector<256x2048xf32>
    %max3A_73 = vector.broadcast %sub3A_22 : vector<1x2048xf32> to vector<256x2048xf32>
    %max3A_74 = arith.maximumf %max3A_72, %max3A_73 : vector<256x2048xf32>
    %sub3A_75 = arith.subf %min3A_71, %max3A_74 : vector<256x2048xf32>
    %jit3A_76 = arith.constant 0.000000e+00 : f32
    %max3A_77 = vector.broadcast %jit3A_76 : f32 to vector<256x2048xf32>
    %max3A_78 = arith.maximumf %max3A_77, %sub3A_75 : vector<256x2048xf32>
    %mul3A_79 = arith.mulf %max3A_68, %max3A_78 : vector<256x2048xf32>
    %mul3A_80 = arith.mulf %add3A_40, %add3A_45 : vector<256x1xf32>
    %add3A_81 = vector.broadcast %mul3A_80 : vector<256x1xf32> to vector<256x2048xf32>
    %add3A_82 = vector.broadcast %mul3A_27 : vector<1x2048xf32> to vector<256x2048xf32>
    %add3A_83 = arith.addf %add3A_81, %add3A_82 : vector<256x2048xf32>
    %sub3A_84 = arith.subf %add3A_83, %mul3A_79 : vector<256x2048xf32>
    %jit3A_85 = arith.constant 9.99999997E-7 : f32
    %max3A_86 = vector.broadcast %jit3A_85 : f32 to vector<256x2048xf32>
    %max3A_87 = arith.maximumf %max3A_86, %sub3A_84 : vector<256x2048xf32>
    %div3A = arith.divf %mul3A_79, %max3A_87 : vector<256x2048xf32>
    %iota3A = tpu.iota {dimensions = array<i32: 0>} : vector<256x2048xi32>
    %iota3A_88 = tpu.iota {dimensions = array<i32: 1>} : vector<256x2048xi32>
    %gt3A = arith.constant 1.000000e-01 : f32
    %gt3A_89 = vector.broadcast %gt3A : f32 to vector<256x2048xf32>
    %gt3A_90 = arith.cmpf ogt, %div3A, %gt3A_89 : vector<256x2048xf32>
    %lt3A = arith.cmpi slt, %iota3A, %iota3A_88 : vector<256x2048xi32>
    %and3A = arith.andi %gt3A_90, %lt3A : vector<256x2048xi1>
    %convert_element_type3A = arith.extui %and3A : vector<256x2048xi1> to vector<256x2048xi32>
    %convert_element_type3A_91 = arith.sitofp %convert_element_type3A : vector<256x2048xi32> to vector<256x2048xf32>
    %convert_element_type3A_92 = arith.truncf %convert_element_type3A_91 : vector<256x2048xf32> to vector<256x2048xbf16>
    %slice3A_93 = vector.extract_strided_slice %convert_element_type3A_92 {offsets = [0, 0], sizes = [256, 256], strides = [1, 1]} : vector<256x2048xbf16> to vector<256x256xbf16>
    %slice3A_94 = vector.extract_strided_slice %broadcast_in_dim3A_28 {offsets = [0, 0], sizes = [1, 256], strides = [1, 1]} : vector<1x2048xf32> to vector<1x256xf32>
    %eq3A = arith.constant 0.000000e+00 : f32
    %eq3A_95 = vector.broadcast %eq3A : f32 to vector<1x256xf32>
    %eq3A_96 = arith.cmpf oeq, %slice3A_94, %eq3A_95 : vector<1x256xf32>
    %jit3A_97 = arith.constant 1.000000e+00 : f32
    %jit3A_98 = arith.constant 0.000000e+00 : f32
    %broadcast_in_dim3A_99 = vector.broadcast %jit3A_97 : f32 to vector<1x256xf32>
    %broadcast_in_dim3A_100 = vector.broadcast %jit3A_98 : f32 to vector<1x256xf32>
    %select_n3A = arith.select %eq3A_96, %broadcast_in_dim3A_99, %broadcast_in_dim3A_100 : vector<1x256xi1>, vector<1x256xf32>
    %while3A = arith.constant true
    %while3A_101:2 = scf.while (%while3A_803 = %while3A, %while3A_804 = %select_n3A) : (i1, vector<1x256xf32>) -> (i1, vector<1x256xf32>) {
      scf.condition(%while3A_803) %while3A_803, %while3A_804 : i1, vector<1x256xf32>
    } do {
    ^bb0(%while3A_803: i1, %while3A_804: vector<1x256xf32>):
      %convert_element_type3A_805 = arith.truncf %while3A_804 : vector<1x256xf32> to vector<1x256xbf16>
      %dot_general3A_806 = arith.constant dense<0.000000e+00> : vector<1x256xf32>
      %dot_general3A_807 = tpu.matmul %convert_element_type3A_805, %slice3A_93, %dot_general3A_806 {dimension_numbers = #tpu.dot_dimension_numbers<[1], [0], [0], [1], [0, 0, 1, 1], [], []>, transpose_lhs_hint = false} : vector<1x256xbf16>, vector<256x256xbf16>, vector<1x256xf32> -> vector<1x256xf32>
      %gt3A_808 = arith.constant 0.000000e+00 : f32
      %gt3A_809 = vector.broadcast %gt3A_808 : f32 to vector<1x256xf32>
      %gt3A_810 = arith.cmpf ogt, %dot_general3A_807, %gt3A_809 : vector<1x256xf32>
      %not3A = arith.constant dense<true> : vector<1x256xi1>
      %not3A_811 = arith.xori %eq3A_96, %not3A : vector<1x256xi1>
      %or3A = arith.ori %gt3A_810, %not3A_811 : vector<1x256xi1>
      %jit3A_812 = arith.constant 0.000000e+00 : f32
      %jit3A_813 = arith.constant 1.000000e+00 : f32
      %broadcast_in_dim3A_814 = vector.broadcast %jit3A_812 : f32 to vector<1x256xf32>
      %broadcast_in_dim3A_815 = vector.broadcast %jit3A_813 : f32 to vector<1x256xf32>
      %select_n3A_816 = arith.select %or3A, %broadcast_in_dim3A_814, %broadcast_in_dim3A_815 : vector<1x256xi1>, vector<1x256xf32>
      %ne3A = arith.cmpf one, %select_n3A_816, %while3A_804 : vector<1x256xf32>
      %reduce_or3A = arith.constant 1.000000e+00 : f32
      %reduce_or3A_817 = arith.constant 0.000000e+00 : f32
      %reduce_or3A_818 = vector.broadcast %reduce_or3A : f32 to vector<1x256xf32>
      %reduce_or3A_819 = vector.broadcast %reduce_or3A_817 : f32 to vector<1x256xf32>
      %reduce_or3A_820 = arith.select %ne3A, %reduce_or3A_818, %reduce_or3A_819 : vector<1x256xi1>, vector<1x256xf32>
      %reduce_or3A_821 = vector.shape_cast %reduce_or3A_820 : vector<1x256xf32> to vector<1x1x256xf32>
      %reduce_or3A_822 = arith.constant dense<0xFF800000> : vector<1xf32>
      %reduce_or3A_823 = vector.multi_reduction <maximumf>, %reduce_or3A_821, %reduce_or3A_822 [1, 2] : vector<1x1x256xf32> to vector<1xf32>
      %reduce_or3A_824 = vector.shape_cast %reduce_or3A_823 : vector<1xf32> to vector<1x1x1xf32>
      %reduce_or3A_825 = vector.extract %reduce_or3A_824[0, 0, 0] : f32 from vector<1x1x1xf32>
      %reduce_or3A_826 = arith.constant 0.000000e+00 : f32
      %reduce_or3A_827 = arith.cmpf ogt, %reduce_or3A_825, %reduce_or3A_826 : f32
      scf.yield %reduce_or3A_827, %select_n3A_816 : i1, vector<1x256xf32>
    }
    %convert_element_type3A_102 = arith.truncf %while3A_101#1 : vector<1x256xf32> to vector<1x256xbf16>
    %dot_general3A = arith.constant dense<0.000000e+00> : vector<1x2048xf32>
    %dot_general3A_103 = tpu.matmul %convert_element_type3A_102, %convert_element_type3A_92, %dot_general3A {dimension_numbers = #tpu.dot_dimension_numbers<[1], [0], [0], [1], [0, 0, 1, 1], [], []>, transpose_lhs_hint = false} : vector<1x256xbf16>, vector<256x2048xbf16>, vector<1x2048xf32> -> vector<1x2048xf32>
    %jit3A_104 = arith.constant 0 : i32
    %convert_element_type3A_105 = arith.sitofp %jit3A_104 : i32 to f32
    %add3A_106 = arith.addf %broadcast_in_dim3A_28, %dot_general3A_103 : vector<1x2048xf32>
    %get3A_107 = arith.constant 0 : index
    %get3A_108 = arith.constant 256 : index
    %get3A_109 = arith.constant 0 : index
    %get3A_110 = vector.load %arg1[%get3A_107, %get3A_108, %get3A_109] : memref<1x2048x8xf32, #tpu.memory_space<vmem>>, vector<1x256x8xf32>
    %get3A_111 = vector.shape_cast %get3A_110 : vector<1x256x8xf32> to vector<256x8xf32>
    %slice3A_112 = vector.extract_strided_slice %get3A_111 {offsets = [0, 0], sizes = [256, 1], strides = [1, 1]} : vector<256x8xf32> to vector<256x1xf32>
    %slice3A_113 = vector.extract_strided_slice %get3A_111 {offsets = [0, 1], sizes = [256, 1], strides = [1, 1]} : vector<256x8xf32> to vector<256x1xf32>
    %slice3A_114 = vector.extract_strided_slice %get3A_111 {offsets = [0, 2], sizes = [256, 1], strides = [1, 1]} : vector<256x8xf32> to vector<256x1xf32>
    %abs3A_115 = math.absf %slice3A_114 : vector<256x1xf32>
    %add3A_116 = arith.constant 1.000000e-03 : f32
    %add3A_117 = vector.broadcast %add3A_116 : f32 to vector<256x1xf32>
    %add3A_118 = arith.addf %abs3A_115, %add3A_117 : vector<256x1xf32>
    %slice3A_119 = vector.extract_strided_slice %get3A_111 {offsets = [0, 3], sizes = [256, 1], strides = [1, 1]} : vector<256x8xf32> to vector<256x1xf32>
    %abs3A_120 = math.absf %slice3A_119 : vector<256x1xf32>
    %add3A_121 = arith.constant 1.000000e-03 : f32
    %add3A_122 = vector.broadcast %add3A_121 : f32 to vector<256x1xf32>
    %add3A_123 = arith.addf %abs3A_120, %add3A_122 : vector<256x1xf32>
    %mul3A_124 = arith.constant 5.000000e-01 : f32
    %mul3A_125 = vector.broadcast %mul3A_124 : f32 to vector<256x1xf32>
    %mul3A_126 = arith.mulf %add3A_118, %mul3A_125 : vector<256x1xf32>
    %sub3A_127 = arith.subf %slice3A_112, %mul3A_126 : vector<256x1xf32>
    %mul3A_128 = arith.constant 5.000000e-01 : f32
    %mul3A_129 = vector.broadcast %mul3A_128 : f32 to vector<256x1xf32>
    %mul3A_130 = arith.mulf %add3A_118, %mul3A_129 : vector<256x1xf32>
    %add3A_131 = arith.addf %slice3A_112, %mul3A_130 : vector<256x1xf32>
    %mul3A_132 = arith.constant 5.000000e-01 : f32
    %mul3A_133 = vector.broadcast %mul3A_132 : f32 to vector<256x1xf32>
    %mul3A_134 = arith.mulf %add3A_123, %mul3A_133 : vector<256x1xf32>
    %sub3A_135 = arith.subf %slice3A_113, %mul3A_134 : vector<256x1xf32>
    %mul3A_136 = arith.constant 5.000000e-01 : f32
    %mul3A_137 = vector.broadcast %mul3A_136 : f32 to vector<256x1xf32>
    %mul3A_138 = arith.mulf %add3A_123, %mul3A_137 : vector<256x1xf32>
    %add3A_139 = arith.addf %slice3A_113, %mul3A_138 : vector<256x1xf32>
    %slice3A_140 = vector.extract_strided_slice %add3A_18 {offsets = [0, 256], sizes = [1, 1792], strides = [1, 1]} : vector<1x2048xf32> to vector<1x1792xf32>
    %min3A_141 = vector.broadcast %add3A_131 : vector<256x1xf32> to vector<256x1792xf32>
    %min3A_142 = vector.broadcast %slice3A_140 : vector<1x1792xf32> to vector<256x1792xf32>
    %min3A_143 = arith.minimumf %min3A_141, %min3A_142 : vector<256x1792xf32>
    %slice3A_144 = vector.extract_strided_slice %sub3A {offsets = [0, 256], sizes = [1, 1792], strides = [1, 1]} : vector<1x2048xf32> to vector<1x1792xf32>
    %max3A_145 = vector.broadcast %sub3A_127 : vector<256x1xf32> to vector<256x1792xf32>
    %max3A_146 = vector.broadcast %slice3A_144 : vector<1x1792xf32> to vector<256x1792xf32>
    %max3A_147 = arith.maximumf %max3A_145, %max3A_146 : vector<256x1792xf32>
    %sub3A_148 = arith.subf %min3A_143, %max3A_147 : vector<256x1792xf32>
    %jit3A_149 = arith.constant 0.000000e+00 : f32
    %max3A_150 = vector.broadcast %jit3A_149 : f32 to vector<256x1792xf32>
    %max3A_151 = arith.maximumf %max3A_150, %sub3A_148 : vector<256x1792xf32>
    %slice3A_152 = vector.extract_strided_slice %add3A_26 {offsets = [0, 256], sizes = [1, 1792], strides = [1, 1]} : vector<1x2048xf32> to vector<1x1792xf32>
    %min3A_153 = vector.broadcast %add3A_139 : vector<256x1xf32> to vector<256x1792xf32>
    %min3A_154 = vector.broadcast %slice3A_152 : vector<1x1792xf32> to vector<256x1792xf32>
    %min3A_155 = arith.minimumf %min3A_153, %min3A_154 : vector<256x1792xf32>
    %slice3A_156 = vector.extract_strided_slice %sub3A_22 {offsets = [0, 256], sizes = [1, 1792], strides = [1, 1]} : vector<1x2048xf32> to vector<1x1792xf32>
    %max3A_157 = vector.broadcast %sub3A_135 : vector<256x1xf32> to vector<256x1792xf32>
    %max3A_158 = vector.broadcast %slice3A_156 : vector<1x1792xf32> to vector<256x1792xf32>
    %max3A_159 = arith.maximumf %max3A_157, %max3A_158 : vector<256x1792xf32>
    %sub3A_160 = arith.subf %min3A_155, %max3A_159 : vector<256x1792xf32>
    %jit3A_161 = arith.constant 0.000000e+00 : f32
    %max3A_162 = vector.broadcast %jit3A_161 : f32 to vector<256x1792xf32>
    %max3A_163 = arith.maximumf %max3A_162, %sub3A_160 : vector<256x1792xf32>
    %mul3A_164 = arith.mulf %max3A_151, %max3A_163 : vector<256x1792xf32>
    %mul3A_165 = arith.mulf %add3A_118, %add3A_123 : vector<256x1xf32>
    %slice3A_166 = vector.extract_strided_slice %mul3A_27 {offsets = [0, 256], sizes = [1, 1792], strides = [1, 1]} : vector<1x2048xf32> to vector<1x1792xf32>
    %add3A_167 = vector.broadcast %mul3A_165 : vector<256x1xf32> to vector<256x1792xf32>
    %add3A_168 = vector.broadcast %slice3A_166 : vector<1x1792xf32> to vector<256x1792xf32>
    %add3A_169 = arith.addf %add3A_167, %add3A_168 : vector<256x1792xf32>
    %sub3A_170 = arith.subf %add3A_169, %mul3A_164 : vector<256x1792xf32>
    %jit3A_171 = arith.constant 9.99999997E-7 : f32
    %max3A_172 = vector.broadcast %jit3A_171 : f32 to vector<256x1792xf32>
    %max3A_173 = arith.maximumf %max3A_172, %sub3A_170 : vector<256x1792xf32>
    %div3A_174 = arith.divf %mul3A_164, %max3A_173 : vector<256x1792xf32>
    %iota3A_175 = tpu.iota {dimensions = array<i32: 0>} : vector<256x1792xi32>
    %iota3A_176 = tpu.iota {dimensions = array<i32: 1>} : vector<256x1792xi32>
    %gt3A_177 = arith.constant 1.000000e-01 : f32
    %gt3A_178 = vector.broadcast %gt3A_177 : f32 to vector<256x1792xf32>
    %gt3A_179 = arith.cmpf ogt, %div3A_174, %gt3A_178 : vector<256x1792xf32>
    %lt3A_180 = arith.cmpi slt, %iota3A_175, %iota3A_176 : vector<256x1792xi32>
    %and3A_181 = arith.andi %gt3A_179, %lt3A_180 : vector<256x1792xi1>
    %convert_element_type3A_182 = arith.extui %and3A_181 : vector<256x1792xi1> to vector<256x1792xi32>
    %convert_element_type3A_183 = arith.sitofp %convert_element_type3A_182 : vector<256x1792xi32> to vector<256x1792xf32>
    %convert_element_type3A_184 = arith.truncf %convert_element_type3A_183 : vector<256x1792xf32> to vector<256x1792xbf16>
    %slice3A_185 = vector.extract_strided_slice %convert_element_type3A_184 {offsets = [0, 0], sizes = [256, 256], strides = [1, 1]} : vector<256x1792xbf16> to vector<256x256xbf16>
    %slice3A_186 = vector.extract_strided_slice %add3A_106 {offsets = [0, 256], sizes = [1, 256], strides = [1, 1]} : vector<1x2048xf32> to vector<1x256xf32>
    %eq3A_187 = arith.constant 0.000000e+00 : f32
    %eq3A_188 = vector.broadcast %eq3A_187 : f32 to vector<1x256xf32>
    %eq3A_189 = arith.cmpf oeq, %slice3A_186, %eq3A_188 : vector<1x256xf32>
    %jit3A_190 = arith.constant 1.000000e+00 : f32
    %jit3A_191 = arith.constant 0.000000e+00 : f32
    %broadcast_in_dim3A_192 = vector.broadcast %jit3A_190 : f32 to vector<1x256xf32>
    %broadcast_in_dim3A_193 = vector.broadcast %jit3A_191 : f32 to vector<1x256xf32>
    %select_n3A_194 = arith.select %eq3A_189, %broadcast_in_dim3A_192, %broadcast_in_dim3A_193 : vector<1x256xi1>, vector<1x256xf32>
    %while3A_195 = arith.constant true
    %while3A_196:2 = scf.while (%while3A_803 = %while3A_195, %while3A_804 = %select_n3A_194) : (i1, vector<1x256xf32>) -> (i1, vector<1x256xf32>) {
      scf.condition(%while3A_803) %while3A_803, %while3A_804 : i1, vector<1x256xf32>
    } do {
    ^bb0(%while3A_803: i1, %while3A_804: vector<1x256xf32>):
      %convert_element_type3A_805 = arith.truncf %while3A_804 : vector<1x256xf32> to vector<1x256xbf16>
      %dot_general3A_806 = arith.constant dense<0.000000e+00> : vector<1x256xf32>
      %dot_general3A_807 = tpu.matmul %convert_element_type3A_805, %slice3A_185, %dot_general3A_806 {dimension_numbers = #tpu.dot_dimension_numbers<[1], [0], [0], [1], [0, 0, 1, 1], [], []>, transpose_lhs_hint = false} : vector<1x256xbf16>, vector<256x256xbf16>, vector<1x256xf32> -> vector<1x256xf32>
      %gt3A_808 = arith.constant 0.000000e+00 : f32
      %gt3A_809 = vector.broadcast %gt3A_808 : f32 to vector<1x256xf32>
      %gt3A_810 = arith.cmpf ogt, %dot_general3A_807, %gt3A_809 : vector<1x256xf32>
      %not3A = arith.constant dense<true> : vector<1x256xi1>
      %not3A_811 = arith.xori %eq3A_189, %not3A : vector<1x256xi1>
      %or3A = arith.ori %gt3A_810, %not3A_811 : vector<1x256xi1>
      %jit3A_812 = arith.constant 0.000000e+00 : f32
      %jit3A_813 = arith.constant 1.000000e+00 : f32
      %broadcast_in_dim3A_814 = vector.broadcast %jit3A_812 : f32 to vector<1x256xf32>
      %broadcast_in_dim3A_815 = vector.broadcast %jit3A_813 : f32 to vector<1x256xf32>
      %select_n3A_816 = arith.select %or3A, %broadcast_in_dim3A_814, %broadcast_in_dim3A_815 : vector<1x256xi1>, vector<1x256xf32>
      %ne3A = arith.cmpf one, %select_n3A_816, %while3A_804 : vector<1x256xf32>
      %reduce_or3A = arith.constant 1.000000e+00 : f32
      %reduce_or3A_817 = arith.constant 0.000000e+00 : f32
      %reduce_or3A_818 = vector.broadcast %reduce_or3A : f32 to vector<1x256xf32>
      %reduce_or3A_819 = vector.broadcast %reduce_or3A_817 : f32 to vector<1x256xf32>
      %reduce_or3A_820 = arith.select %ne3A, %reduce_or3A_818, %reduce_or3A_819 : vector<1x256xi1>, vector<1x256xf32>
      %reduce_or3A_821 = vector.shape_cast %reduce_or3A_820 : vector<1x256xf32> to vector<1x1x256xf32>
      %reduce_or3A_822 = arith.constant dense<0xFF800000> : vector<1xf32>
      %reduce_or3A_823 = vector.multi_reduction <maximumf>, %reduce_or3A_821, %reduce_or3A_822 [1, 2] : vector<1x1x256xf32> to vector<1xf32>
      %reduce_or3A_824 = vector.shape_cast %reduce_or3A_823 : vector<1xf32> to vector<1x1x1xf32>
      %reduce_or3A_825 = vector.extract %reduce_or3A_824[0, 0, 0] : f32 from vector<1x1x1xf32>
      %reduce_or3A_826 = arith.constant 0.000000e+00 : f32
      %reduce_or3A_827 = arith.cmpf ogt, %reduce_or3A_825, %reduce_or3A_826 : f32
      scf.yield %reduce_or3A_827, %select_n3A_816 : i1, vector<1x256xf32>
    }
    %convert_element_type3A_197 = arith.truncf %while3A_196#1 : vector<1x256xf32> to vector<1x256xbf16>
    %dot_general3A_198 = arith.constant dense<0.000000e+00> : vector<1x1792xf32>
    %dot_general3A_199 = tpu.matmul %convert_element_type3A_197, %convert_element_type3A_184, %dot_general3A_198 {dimension_numbers = #tpu.dot_dimension_numbers<[1], [0], [0], [1], [0, 0, 1, 1], [], []>, transpose_lhs_hint = false} : vector<1x256xbf16>, vector<256x1792xbf16>, vector<1x1792xf32> -> vector<1x1792xf32>
    %jit3A_200 = arith.constant 0 : i32
    %convert_element_type3A_201 = arith.sitofp %jit3A_200 : i32 to f32
    %pad3A = vector.broadcast %convert_element_type3A_201 : f32 to vector<1x256xf32>
    %pad3A_202 = tpu.concatenate %pad3A, %dot_general3A_199 in 1 : vector<1x256xf32>, vector<1x1792xf32> -> vector<1x2048xf32>
    %add3A_203 = arith.addf %add3A_106, %pad3A_202 : vector<1x2048xf32>
    %get3A_204 = arith.constant 0 : index
    %get3A_205 = arith.constant 512 : index
    %get3A_206 = arith.constant 0 : index
    %get3A_207 = vector.load %arg1[%get3A_204, %get3A_205, %get3A_206] : memref<1x2048x8xf32, #tpu.memory_space<vmem>>, vector<1x256x8xf32>
    %get3A_208 = vector.shape_cast %get3A_207 : vector<1x256x8xf32> to vector<256x8xf32>
    %slice3A_209 = vector.extract_strided_slice %get3A_208 {offsets = [0, 0], sizes = [256, 1], strides = [1, 1]} : vector<256x8xf32> to vector<256x1xf32>
    %slice3A_210 = vector.extract_strided_slice %get3A_208 {offsets = [0, 1], sizes = [256, 1], strides = [1, 1]} : vector<256x8xf32> to vector<256x1xf32>
    %slice3A_211 = vector.extract_strided_slice %get3A_208 {offsets = [0, 2], sizes = [256, 1], strides = [1, 1]} : vector<256x8xf32> to vector<256x1xf32>
    %abs3A_212 = math.absf %slice3A_211 : vector<256x1xf32>
    %add3A_213 = arith.constant 1.000000e-03 : f32
    %add3A_214 = vector.broadcast %add3A_213 : f32 to vector<256x1xf32>
    %add3A_215 = arith.addf %abs3A_212, %add3A_214 : vector<256x1xf32>
    %slice3A_216 = vector.extract_strided_slice %get3A_208 {offsets = [0, 3], sizes = [256, 1], strides = [1, 1]} : vector<256x8xf32> to vector<256x1xf32>
    %abs3A_217 = math.absf %slice3A_216 : vector<256x1xf32>
    %add3A_218 = arith.constant 1.000000e-03 : f32
    %add3A_219 = vector.broadcast %add3A_218 : f32 to vector<256x1xf32>
    %add3A_220 = arith.addf %abs3A_217, %add3A_219 : vector<256x1xf32>
    %mul3A_221 = arith.constant 5.000000e-01 : f32
    %mul3A_222 = vector.broadcast %mul3A_221 : f32 to vector<256x1xf32>
    %mul3A_223 = arith.mulf %add3A_215, %mul3A_222 : vector<256x1xf32>
    %sub3A_224 = arith.subf %slice3A_209, %mul3A_223 : vector<256x1xf32>
    %mul3A_225 = arith.constant 5.000000e-01 : f32
    %mul3A_226 = vector.broadcast %mul3A_225 : f32 to vector<256x1xf32>
    %mul3A_227 = arith.mulf %add3A_215, %mul3A_226 : vector<256x1xf32>
    %add3A_228 = arith.addf %slice3A_209, %mul3A_227 : vector<256x1xf32>
    %mul3A_229 = arith.constant 5.000000e-01 : f32
    %mul3A_230 = vector.broadcast %mul3A_229 : f32 to vector<256x1xf32>
    %mul3A_231 = arith.mulf %add3A_220, %mul3A_230 : vector<256x1xf32>
    %sub3A_232 = arith.subf %slice3A_210, %mul3A_231 : vector<256x1xf32>
    %mul3A_233 = arith.constant 5.000000e-01 : f32
    %mul3A_234 = vector.broadcast %mul3A_233 : f32 to vector<256x1xf32>
    %mul3A_235 = arith.mulf %add3A_220, %mul3A_234 : vector<256x1xf32>
    %add3A_236 = arith.addf %slice3A_210, %mul3A_235 : vector<256x1xf32>
    %slice3A_237 = vector.extract_strided_slice %add3A_18 {offsets = [0, 512], sizes = [1, 1536], strides = [1, 1]} : vector<1x2048xf32> to vector<1x1536xf32>
    %min3A_238 = vector.broadcast %add3A_228 : vector<256x1xf32> to vector<256x1536xf32>
    %min3A_239 = vector.broadcast %slice3A_237 : vector<1x1536xf32> to vector<256x1536xf32>
    %min3A_240 = arith.minimumf %min3A_238, %min3A_239 : vector<256x1536xf32>
    %slice3A_241 = vector.extract_strided_slice %sub3A {offsets = [0, 512], sizes = [1, 1536], strides = [1, 1]} : vector<1x2048xf32> to vector<1x1536xf32>
    %max3A_242 = vector.broadcast %sub3A_224 : vector<256x1xf32> to vector<256x1536xf32>
    %max3A_243 = vector.broadcast %slice3A_241 : vector<1x1536xf32> to vector<256x1536xf32>
    %max3A_244 = arith.maximumf %max3A_242, %max3A_243 : vector<256x1536xf32>
    %sub3A_245 = arith.subf %min3A_240, %max3A_244 : vector<256x1536xf32>
    %jit3A_246 = arith.constant 0.000000e+00 : f32
    %max3A_247 = vector.broadcast %jit3A_246 : f32 to vector<256x1536xf32>
    %max3A_248 = arith.maximumf %max3A_247, %sub3A_245 : vector<256x1536xf32>
    %slice3A_249 = vector.extract_strided_slice %add3A_26 {offsets = [0, 512], sizes = [1, 1536], strides = [1, 1]} : vector<1x2048xf32> to vector<1x1536xf32>
    %min3A_250 = vector.broadcast %add3A_236 : vector<256x1xf32> to vector<256x1536xf32>
    %min3A_251 = vector.broadcast %slice3A_249 : vector<1x1536xf32> to vector<256x1536xf32>
    %min3A_252 = arith.minimumf %min3A_250, %min3A_251 : vector<256x1536xf32>
    %slice3A_253 = vector.extract_strided_slice %sub3A_22 {offsets = [0, 512], sizes = [1, 1536], strides = [1, 1]} : vector<1x2048xf32> to vector<1x1536xf32>
    %max3A_254 = vector.broadcast %sub3A_232 : vector<256x1xf32> to vector<256x1536xf32>
    %max3A_255 = vector.broadcast %slice3A_253 : vector<1x1536xf32> to vector<256x1536xf32>
    %max3A_256 = arith.maximumf %max3A_254, %max3A_255 : vector<256x1536xf32>
    %sub3A_257 = arith.subf %min3A_252, %max3A_256 : vector<256x1536xf32>
    %jit3A_258 = arith.constant 0.000000e+00 : f32
    %max3A_259 = vector.broadcast %jit3A_258 : f32 to vector<256x1536xf32>
    %max3A_260 = arith.maximumf %max3A_259, %sub3A_257 : vector<256x1536xf32>
    %mul3A_261 = arith.mulf %max3A_248, %max3A_260 : vector<256x1536xf32>
    %mul3A_262 = arith.mulf %add3A_215, %add3A_220 : vector<256x1xf32>
    %slice3A_263 = vector.extract_strided_slice %mul3A_27 {offsets = [0, 512], sizes = [1, 1536], strides = [1, 1]} : vector<1x2048xf32> to vector<1x1536xf32>
    %add3A_264 = vector.broadcast %mul3A_262 : vector<256x1xf32> to vector<256x1536xf32>
    %add3A_265 = vector.broadcast %slice3A_263 : vector<1x1536xf32> to vector<256x1536xf32>
    %add3A_266 = arith.addf %add3A_264, %add3A_265 : vector<256x1536xf32>
    %sub3A_267 = arith.subf %add3A_266, %mul3A_261 : vector<256x1536xf32>
    %jit3A_268 = arith.constant 9.99999997E-7 : f32
    %max3A_269 = vector.broadcast %jit3A_268 : f32 to vector<256x1536xf32>
    %max3A_270 = arith.maximumf %max3A_269, %sub3A_267 : vector<256x1536xf32>
    %div3A_271 = arith.divf %mul3A_261, %max3A_270 : vector<256x1536xf32>
    %iota3A_272 = tpu.iota {dimensions = array<i32: 0>} : vector<256x1536xi32>
    %iota3A_273 = tpu.iota {dimensions = array<i32: 1>} : vector<256x1536xi32>
    %gt3A_274 = arith.constant 1.000000e-01 : f32
    %gt3A_275 = vector.broadcast %gt3A_274 : f32 to vector<256x1536xf32>
    %gt3A_276 = arith.cmpf ogt, %div3A_271, %gt3A_275 : vector<256x1536xf32>
    %lt3A_277 = arith.cmpi slt, %iota3A_272, %iota3A_273 : vector<256x1536xi32>
    %and3A_278 = arith.andi %gt3A_276, %lt3A_277 : vector<256x1536xi1>
    %convert_element_type3A_279 = arith.extui %and3A_278 : vector<256x1536xi1> to vector<256x1536xi32>
    %convert_element_type3A_280 = arith.sitofp %convert_element_type3A_279 : vector<256x1536xi32> to vector<256x1536xf32>
    %convert_element_type3A_281 = arith.truncf %convert_element_type3A_280 : vector<256x1536xf32> to vector<256x1536xbf16>
    %slice3A_282 = vector.extract_strided_slice %convert_element_type3A_281 {offsets = [0, 0], sizes = [256, 256], strides = [1, 1]} : vector<256x1536xbf16> to vector<256x256xbf16>
    %slice3A_283 = vector.extract_strided_slice %add3A_203 {offsets = [0, 512], sizes = [1, 256], strides = [1, 1]} : vector<1x2048xf32> to vector<1x256xf32>
    %eq3A_284 = arith.constant 0.000000e+00 : f32
    %eq3A_285 = vector.broadcast %eq3A_284 : f32 to vector<1x256xf32>
    %eq3A_286 = arith.cmpf oeq, %slice3A_283, %eq3A_285 : vector<1x256xf32>
    %jit3A_287 = arith.constant 1.000000e+00 : f32
    %jit3A_288 = arith.constant 0.000000e+00 : f32
    %broadcast_in_dim3A_289 = vector.broadcast %jit3A_287 : f32 to vector<1x256xf32>
    %broadcast_in_dim3A_290 = vector.broadcast %jit3A_288 : f32 to vector<1x256xf32>
    %select_n3A_291 = arith.select %eq3A_286, %broadcast_in_dim3A_289, %broadcast_in_dim3A_290 : vector<1x256xi1>, vector<1x256xf32>
    %while3A_292 = arith.constant true
    %while3A_293:2 = scf.while (%while3A_803 = %while3A_292, %while3A_804 = %select_n3A_291) : (i1, vector<1x256xf32>) -> (i1, vector<1x256xf32>) {
      scf.condition(%while3A_803) %while3A_803, %while3A_804 : i1, vector<1x256xf32>
    } do {
    ^bb0(%while3A_803: i1, %while3A_804: vector<1x256xf32>):
      %convert_element_type3A_805 = arith.truncf %while3A_804 : vector<1x256xf32> to vector<1x256xbf16>
      %dot_general3A_806 = arith.constant dense<0.000000e+00> : vector<1x256xf32>
      %dot_general3A_807 = tpu.matmul %convert_element_type3A_805, %slice3A_282, %dot_general3A_806 {dimension_numbers = #tpu.dot_dimension_numbers<[1], [0], [0], [1], [0, 0, 1, 1], [], []>, transpose_lhs_hint = false} : vector<1x256xbf16>, vector<256x256xbf16>, vector<1x256xf32> -> vector<1x256xf32>
      %gt3A_808 = arith.constant 0.000000e+00 : f32
      %gt3A_809 = vector.broadcast %gt3A_808 : f32 to vector<1x256xf32>
      %gt3A_810 = arith.cmpf ogt, %dot_general3A_807, %gt3A_809 : vector<1x256xf32>
      %not3A = arith.constant dense<true> : vector<1x256xi1>
      %not3A_811 = arith.xori %eq3A_286, %not3A : vector<1x256xi1>
      %or3A = arith.ori %gt3A_810, %not3A_811 : vector<1x256xi1>
      %jit3A_812 = arith.constant 0.000000e+00 : f32
      %jit3A_813 = arith.constant 1.000000e+00 : f32
      %broadcast_in_dim3A_814 = vector.broadcast %jit3A_812 : f32 to vector<1x256xf32>
      %broadcast_in_dim3A_815 = vector.broadcast %jit3A_813 : f32 to vector<1x256xf32>
      %select_n3A_816 = arith.select %or3A, %broadcast_in_dim3A_814, %broadcast_in_dim3A_815 : vector<1x256xi1>, vector<1x256xf32>
      %ne3A = arith.cmpf one, %select_n3A_816, %while3A_804 : vector<1x256xf32>
      %reduce_or3A = arith.constant 1.000000e+00 : f32
      %reduce_or3A_817 = arith.constant 0.000000e+00 : f32
      %reduce_or3A_818 = vector.broadcast %reduce_or3A : f32 to vector<1x256xf32>
      %reduce_or3A_819 = vector.broadcast %reduce_or3A_817 : f32 to vector<1x256xf32>
      %reduce_or3A_820 = arith.select %ne3A, %reduce_or3A_818, %reduce_or3A_819 : vector<1x256xi1>, vector<1x256xf32>
      %reduce_or3A_821 = vector.shape_cast %reduce_or3A_820 : vector<1x256xf32> to vector<1x1x256xf32>
      %reduce_or3A_822 = arith.constant dense<0xFF800000> : vector<1xf32>
      %reduce_or3A_823 = vector.multi_reduction <maximumf>, %reduce_or3A_821, %reduce_or3A_822 [1, 2] : vector<1x1x256xf32> to vector<1xf32>
      %reduce_or3A_824 = vector.shape_cast %reduce_or3A_823 : vector<1xf32> to vector<1x1x1xf32>
      %reduce_or3A_825 = vector.extract %reduce_or3A_824[0, 0, 0] : f32 from vector<1x1x1xf32>
      %reduce_or3A_826 = arith.constant 0.000000e+00 : f32
      %reduce_or3A_827 = arith.cmpf ogt, %reduce_or3A_825, %reduce_or3A_826 : f32
      scf.yield %reduce_or3A_827, %select_n3A_816 : i1, vector<1x256xf32>
    }
    %convert_element_type3A_294 = arith.truncf %while3A_293#1 : vector<1x256xf32> to vector<1x256xbf16>
    %dot_general3A_295 = arith.constant dense<0.000000e+00> : vector<1x1536xf32>
    %dot_general3A_296 = tpu.matmul %convert_element_type3A_294, %convert_element_type3A_281, %dot_general3A_295 {dimension_numbers = #tpu.dot_dimension_numbers<[1], [0], [0], [1], [0, 0, 1, 1], [], []>, transpose_lhs_hint = false} : vector<1x256xbf16>, vector<256x1536xbf16>, vector<1x1536xf32> -> vector<1x1536xf32>
    %jit3A_297 = arith.constant 0 : i32
    %convert_element_type3A_298 = arith.sitofp %jit3A_297 : i32 to f32
    %pad3A_299 = vector.broadcast %convert_element_type3A_298 : f32 to vector<1x512xf32>
    %pad3A_300 = tpu.concatenate %pad3A_299, %dot_general3A_296 in 1 : vector<1x512xf32>, vector<1x1536xf32> -> vector<1x2048xf32>
    %add3A_301 = arith.addf %add3A_203, %pad3A_300 : vector<1x2048xf32>
    %get3A_302 = arith.constant 0 : index
    %get3A_303 = arith.constant 768 : index
    %get3A_304 = arith.constant 0 : index
    %get3A_305 = vector.load %arg1[%get3A_302, %get3A_303, %get3A_304] : memref<1x2048x8xf32, #tpu.memory_space<vmem>>, vector<1x256x8xf32>
    %get3A_306 = vector.shape_cast %get3A_305 : vector<1x256x8xf32> to vector<256x8xf32>
    %slice3A_307 = vector.extract_strided_slice %get3A_306 {offsets = [0, 0], sizes = [256, 1], strides = [1, 1]} : vector<256x8xf32> to vector<256x1xf32>
    %slice3A_308 = vector.extract_strided_slice %get3A_306 {offsets = [0, 1], sizes = [256, 1], strides = [1, 1]} : vector<256x8xf32> to vector<256x1xf32>
    %slice3A_309 = vector.extract_strided_slice %get3A_306 {offsets = [0, 2], sizes = [256, 1], strides = [1, 1]} : vector<256x8xf32> to vector<256x1xf32>
    %abs3A_310 = math.absf %slice3A_309 : vector<256x1xf32>
    %add3A_311 = arith.constant 1.000000e-03 : f32
    %add3A_312 = vector.broadcast %add3A_311 : f32 to vector<256x1xf32>
    %add3A_313 = arith.addf %abs3A_310, %add3A_312 : vector<256x1xf32>
    %slice3A_314 = vector.extract_strided_slice %get3A_306 {offsets = [0, 3], sizes = [256, 1], strides = [1, 1]} : vector<256x8xf32> to vector<256x1xf32>
    %abs3A_315 = math.absf %slice3A_314 : vector<256x1xf32>
    %add3A_316 = arith.constant 1.000000e-03 : f32
    %add3A_317 = vector.broadcast %add3A_316 : f32 to vector<256x1xf32>
    %add3A_318 = arith.addf %abs3A_315, %add3A_317 : vector<256x1xf32>
    %mul3A_319 = arith.constant 5.000000e-01 : f32
    %mul3A_320 = vector.broadcast %mul3A_319 : f32 to vector<256x1xf32>
    %mul3A_321 = arith.mulf %add3A_313, %mul3A_320 : vector<256x1xf32>
    %sub3A_322 = arith.subf %slice3A_307, %mul3A_321 : vector<256x1xf32>
    %mul3A_323 = arith.constant 5.000000e-01 : f32
    %mul3A_324 = vector.broadcast %mul3A_323 : f32 to vector<256x1xf32>
    %mul3A_325 = arith.mulf %add3A_313, %mul3A_324 : vector<256x1xf32>
    %add3A_326 = arith.addf %slice3A_307, %mul3A_325 : vector<256x1xf32>
    %mul3A_327 = arith.constant 5.000000e-01 : f32
    %mul3A_328 = vector.broadcast %mul3A_327 : f32 to vector<256x1xf32>
    %mul3A_329 = arith.mulf %add3A_318, %mul3A_328 : vector<256x1xf32>
    %sub3A_330 = arith.subf %slice3A_308, %mul3A_329 : vector<256x1xf32>
    %mul3A_331 = arith.constant 5.000000e-01 : f32
    %mul3A_332 = vector.broadcast %mul3A_331 : f32 to vector<256x1xf32>
    %mul3A_333 = arith.mulf %add3A_318, %mul3A_332 : vector<256x1xf32>
    %add3A_334 = arith.addf %slice3A_308, %mul3A_333 : vector<256x1xf32>
    %slice3A_335 = vector.extract_strided_slice %add3A_18 {offsets = [0, 768], sizes = [1, 1280], strides = [1, 1]} : vector<1x2048xf32> to vector<1x1280xf32>
    %min3A_336 = vector.broadcast %add3A_326 : vector<256x1xf32> to vector<256x1280xf32>
    %min3A_337 = vector.broadcast %slice3A_335 : vector<1x1280xf32> to vector<256x1280xf32>
    %min3A_338 = arith.minimumf %min3A_336, %min3A_337 : vector<256x1280xf32>
    %slice3A_339 = vector.extract_strided_slice %sub3A {offsets = [0, 768], sizes = [1, 1280], strides = [1, 1]} : vector<1x2048xf32> to vector<1x1280xf32>
    %max3A_340 = vector.broadcast %sub3A_322 : vector<256x1xf32> to vector<256x1280xf32>
    %max3A_341 = vector.broadcast %slice3A_339 : vector<1x1280xf32> to vector<256x1280xf32>
    %max3A_342 = arith.maximumf %max3A_340, %max3A_341 : vector<256x1280xf32>
    %sub3A_343 = arith.subf %min3A_338, %max3A_342 : vector<256x1280xf32>
    %jit3A_344 = arith.constant 0.000000e+00 : f32
    %max3A_345 = vector.broadcast %jit3A_344 : f32 to vector<256x1280xf32>
    %max3A_346 = arith.maximumf %max3A_345, %sub3A_343 : vector<256x1280xf32>
    %slice3A_347 = vector.extract_strided_slice %add3A_26 {offsets = [0, 768], sizes = [1, 1280], strides = [1, 1]} : vector<1x2048xf32> to vector<1x1280xf32>
    %min3A_348 = vector.broadcast %add3A_334 : vector<256x1xf32> to vector<256x1280xf32>
    %min3A_349 = vector.broadcast %slice3A_347 : vector<1x1280xf32> to vector<256x1280xf32>
    %min3A_350 = arith.minimumf %min3A_348, %min3A_349 : vector<256x1280xf32>
    %slice3A_351 = vector.extract_strided_slice %sub3A_22 {offsets = [0, 768], sizes = [1, 1280], strides = [1, 1]} : vector<1x2048xf32> to vector<1x1280xf32>
    %max3A_352 = vector.broadcast %sub3A_330 : vector<256x1xf32> to vector<256x1280xf32>
    %max3A_353 = vector.broadcast %slice3A_351 : vector<1x1280xf32> to vector<256x1280xf32>
    %max3A_354 = arith.maximumf %max3A_352, %max3A_353 : vector<256x1280xf32>
    %sub3A_355 = arith.subf %min3A_350, %max3A_354 : vector<256x1280xf32>
    %jit3A_356 = arith.constant 0.000000e+00 : f32
    %max3A_357 = vector.broadcast %jit3A_356 : f32 to vector<256x1280xf32>
    %max3A_358 = arith.maximumf %max3A_357, %sub3A_355 : vector<256x1280xf32>
    %mul3A_359 = arith.mulf %max3A_346, %max3A_358 : vector<256x1280xf32>
    %mul3A_360 = arith.mulf %add3A_313, %add3A_318 : vector<256x1xf32>
    %slice3A_361 = vector.extract_strided_slice %mul3A_27 {offsets = [0, 768], sizes = [1, 1280], strides = [1, 1]} : vector<1x2048xf32> to vector<1x1280xf32>
    %add3A_362 = vector.broadcast %mul3A_360 : vector<256x1xf32> to vector<256x1280xf32>
    %add3A_363 = vector.broadcast %slice3A_361 : vector<1x1280xf32> to vector<256x1280xf32>
    %add3A_364 = arith.addf %add3A_362, %add3A_363 : vector<256x1280xf32>
    %sub3A_365 = arith.subf %add3A_364, %mul3A_359 : vector<256x1280xf32>
    %jit3A_366 = arith.constant 9.99999997E-7 : f32
    %max3A_367 = vector.broadcast %jit3A_366 : f32 to vector<256x1280xf32>
    %max3A_368 = arith.maximumf %max3A_367, %sub3A_365 : vector<256x1280xf32>
    %div3A_369 = arith.divf %mul3A_359, %max3A_368 : vector<256x1280xf32>
    %iota3A_370 = tpu.iota {dimensions = array<i32: 0>} : vector<256x1280xi32>
    %iota3A_371 = tpu.iota {dimensions = array<i32: 1>} : vector<256x1280xi32>
    %gt3A_372 = arith.constant 1.000000e-01 : f32
    %gt3A_373 = vector.broadcast %gt3A_372 : f32 to vector<256x1280xf32>
    %gt3A_374 = arith.cmpf ogt, %div3A_369, %gt3A_373 : vector<256x1280xf32>
    %lt3A_375 = arith.cmpi slt, %iota3A_370, %iota3A_371 : vector<256x1280xi32>
    %and3A_376 = arith.andi %gt3A_374, %lt3A_375 : vector<256x1280xi1>
    %convert_element_type3A_377 = arith.extui %and3A_376 : vector<256x1280xi1> to vector<256x1280xi32>
    %convert_element_type3A_378 = arith.sitofp %convert_element_type3A_377 : vector<256x1280xi32> to vector<256x1280xf32>
    %convert_element_type3A_379 = arith.truncf %convert_element_type3A_378 : vector<256x1280xf32> to vector<256x1280xbf16>
    %slice3A_380 = vector.extract_strided_slice %convert_element_type3A_379 {offsets = [0, 0], sizes = [256, 256], strides = [1, 1]} : vector<256x1280xbf16> to vector<256x256xbf16>
    %slice3A_381 = vector.extract_strided_slice %add3A_301 {offsets = [0, 768], sizes = [1, 256], strides = [1, 1]} : vector<1x2048xf32> to vector<1x256xf32>
    %eq3A_382 = arith.constant 0.000000e+00 : f32
    %eq3A_383 = vector.broadcast %eq3A_382 : f32 to vector<1x256xf32>
    %eq3A_384 = arith.cmpf oeq, %slice3A_381, %eq3A_383 : vector<1x256xf32>
    %jit3A_385 = arith.constant 1.000000e+00 : f32
    %jit3A_386 = arith.constant 0.000000e+00 : f32
    %broadcast_in_dim3A_387 = vector.broadcast %jit3A_385 : f32 to vector<1x256xf32>
    %broadcast_in_dim3A_388 = vector.broadcast %jit3A_386 : f32 to vector<1x256xf32>
    %select_n3A_389 = arith.select %eq3A_384, %broadcast_in_dim3A_387, %broadcast_in_dim3A_388 : vector<1x256xi1>, vector<1x256xf32>
    %while3A_390 = arith.constant true
    %while3A_391:2 = scf.while (%while3A_803 = %while3A_390, %while3A_804 = %select_n3A_389) : (i1, vector<1x256xf32>) -> (i1, vector<1x256xf32>) {
      scf.condition(%while3A_803) %while3A_803, %while3A_804 : i1, vector<1x256xf32>
    } do {
    ^bb0(%while3A_803: i1, %while3A_804: vector<1x256xf32>):
      %convert_element_type3A_805 = arith.truncf %while3A_804 : vector<1x256xf32> to vector<1x256xbf16>
      %dot_general3A_806 = arith.constant dense<0.000000e+00> : vector<1x256xf32>
      %dot_general3A_807 = tpu.matmul %convert_element_type3A_805, %slice3A_380, %dot_general3A_806 {dimension_numbers = #tpu.dot_dimension_numbers<[1], [0], [0], [1], [0, 0, 1, 1], [], []>, transpose_lhs_hint = false} : vector<1x256xbf16>, vector<256x256xbf16>, vector<1x256xf32> -> vector<1x256xf32>
      %gt3A_808 = arith.constant 0.000000e+00 : f32
      %gt3A_809 = vector.broadcast %gt3A_808 : f32 to vector<1x256xf32>
      %gt3A_810 = arith.cmpf ogt, %dot_general3A_807, %gt3A_809 : vector<1x256xf32>
      %not3A = arith.constant dense<true> : vector<1x256xi1>
      %not3A_811 = arith.xori %eq3A_384, %not3A : vector<1x256xi1>
      %or3A = arith.ori %gt3A_810, %not3A_811 : vector<1x256xi1>
      %jit3A_812 = arith.constant 0.000000e+00 : f32
      %jit3A_813 = arith.constant 1.000000e+00 : f32
      %broadcast_in_dim3A_814 = vector.broadcast %jit3A_812 : f32 to vector<1x256xf32>
      %broadcast_in_dim3A_815 = vector.broadcast %jit3A_813 : f32 to vector<1x256xf32>
      %select_n3A_816 = arith.select %or3A, %broadcast_in_dim3A_814, %broadcast_in_dim3A_815 : vector<1x256xi1>, vector<1x256xf32>
      %ne3A = arith.cmpf one, %select_n3A_816, %while3A_804 : vector<1x256xf32>
      %reduce_or3A = arith.constant 1.000000e+00 : f32
      %reduce_or3A_817 = arith.constant 0.000000e+00 : f32
      %reduce_or3A_818 = vector.broadcast %reduce_or3A : f32 to vector<1x256xf32>
      %reduce_or3A_819 = vector.broadcast %reduce_or3A_817 : f32 to vector<1x256xf32>
      %reduce_or3A_820 = arith.select %ne3A, %reduce_or3A_818, %reduce_or3A_819 : vector<1x256xi1>, vector<1x256xf32>
      %reduce_or3A_821 = vector.shape_cast %reduce_or3A_820 : vector<1x256xf32> to vector<1x1x256xf32>
      %reduce_or3A_822 = arith.constant dense<0xFF800000> : vector<1xf32>
      %reduce_or3A_823 = vector.multi_reduction <maximumf>, %reduce_or3A_821, %reduce_or3A_822 [1, 2] : vector<1x1x256xf32> to vector<1xf32>
      %reduce_or3A_824 = vector.shape_cast %reduce_or3A_823 : vector<1xf32> to vector<1x1x1xf32>
      %reduce_or3A_825 = vector.extract %reduce_or3A_824[0, 0, 0] : f32 from vector<1x1x1xf32>
      %reduce_or3A_826 = arith.constant 0.000000e+00 : f32
      %reduce_or3A_827 = arith.cmpf ogt, %reduce_or3A_825, %reduce_or3A_826 : f32
      scf.yield %reduce_or3A_827, %select_n3A_816 : i1, vector<1x256xf32>
    }
    %convert_element_type3A_392 = arith.truncf %while3A_391#1 : vector<1x256xf32> to vector<1x256xbf16>
    %dot_general3A_393 = arith.constant dense<0.000000e+00> : vector<1x1280xf32>
    %dot_general3A_394 = tpu.matmul %convert_element_type3A_392, %convert_element_type3A_379, %dot_general3A_393 {dimension_numbers = #tpu.dot_dimension_numbers<[1], [0], [0], [1], [0, 0, 1, 1], [], []>, transpose_lhs_hint = false} : vector<1x256xbf16>, vector<256x1280xbf16>, vector<1x1280xf32> -> vector<1x1280xf32>
    %jit3A_395 = arith.constant 0 : i32
    %convert_element_type3A_396 = arith.sitofp %jit3A_395 : i32 to f32
    %pad3A_397 = vector.broadcast %convert_element_type3A_396 : f32 to vector<1x768xf32>
    %pad3A_398 = tpu.concatenate %pad3A_397, %dot_general3A_394 in 1 : vector<1x768xf32>, vector<1x1280xf32> -> vector<1x2048xf32>
    %add3A_399 = arith.addf %add3A_301, %pad3A_398 : vector<1x2048xf32>
    %get3A_400 = arith.constant 0 : index
    %get3A_401 = arith.constant 1024 : index
    %get3A_402 = arith.constant 0 : index
    %get3A_403 = vector.load %arg1[%get3A_400, %get3A_401, %get3A_402] : memref<1x2048x8xf32, #tpu.memory_space<vmem>>, vector<1x256x8xf32>
    %get3A_404 = vector.shape_cast %get3A_403 : vector<1x256x8xf32> to vector<256x8xf32>
    %slice3A_405 = vector.extract_strided_slice %get3A_404 {offsets = [0, 0], sizes = [256, 1], strides = [1, 1]} : vector<256x8xf32> to vector<256x1xf32>
    %slice3A_406 = vector.extract_strided_slice %get3A_404 {offsets = [0, 1], sizes = [256, 1], strides = [1, 1]} : vector<256x8xf32> to vector<256x1xf32>
    %slice3A_407 = vector.extract_strided_slice %get3A_404 {offsets = [0, 2], sizes = [256, 1], strides = [1, 1]} : vector<256x8xf32> to vector<256x1xf32>
    %abs3A_408 = math.absf %slice3A_407 : vector<256x1xf32>
    %add3A_409 = arith.constant 1.000000e-03 : f32
    %add3A_410 = vector.broadcast %add3A_409 : f32 to vector<256x1xf32>
    %add3A_411 = arith.addf %abs3A_408, %add3A_410 : vector<256x1xf32>
    %slice3A_412 = vector.extract_strided_slice %get3A_404 {offsets = [0, 3], sizes = [256, 1], strides = [1, 1]} : vector<256x8xf32> to vector<256x1xf32>
    %abs3A_413 = math.absf %slice3A_412 : vector<256x1xf32>
    %add3A_414 = arith.constant 1.000000e-03 : f32
    %add3A_415 = vector.broadcast %add3A_414 : f32 to vector<256x1xf32>
    %add3A_416 = arith.addf %abs3A_413, %add3A_415 : vector<256x1xf32>
    %mul3A_417 = arith.constant 5.000000e-01 : f32
    %mul3A_418 = vector.broadcast %mul3A_417 : f32 to vector<256x1xf32>
    %mul3A_419 = arith.mulf %add3A_411, %mul3A_418 : vector<256x1xf32>
    %sub3A_420 = arith.subf %slice3A_405, %mul3A_419 : vector<256x1xf32>
    %mul3A_421 = arith.constant 5.000000e-01 : f32
    %mul3A_422 = vector.broadcast %mul3A_421 : f32 to vector<256x1xf32>
    %mul3A_423 = arith.mulf %add3A_411, %mul3A_422 : vector<256x1xf32>
    %add3A_424 = arith.addf %slice3A_405, %mul3A_423 : vector<256x1xf32>
    %mul3A_425 = arith.constant 5.000000e-01 : f32
    %mul3A_426 = vector.broadcast %mul3A_425 : f32 to vector<256x1xf32>
    %mul3A_427 = arith.mulf %add3A_416, %mul3A_426 : vector<256x1xf32>
    %sub3A_428 = arith.subf %slice3A_406, %mul3A_427 : vector<256x1xf32>
    %mul3A_429 = arith.constant 5.000000e-01 : f32
    %mul3A_430 = vector.broadcast %mul3A_429 : f32 to vector<256x1xf32>
    %mul3A_431 = arith.mulf %add3A_416, %mul3A_430 : vector<256x1xf32>
    %add3A_432 = arith.addf %slice3A_406, %mul3A_431 : vector<256x1xf32>
    %slice3A_433 = vector.extract_strided_slice %add3A_18 {offsets = [0, 1024], sizes = [1, 1024], strides = [1, 1]} : vector<1x2048xf32> to vector<1x1024xf32>
    %min3A_434 = vector.broadcast %add3A_424 : vector<256x1xf32> to vector<256x1024xf32>
    %min3A_435 = vector.broadcast %slice3A_433 : vector<1x1024xf32> to vector<256x1024xf32>
    %min3A_436 = arith.minimumf %min3A_434, %min3A_435 : vector<256x1024xf32>
    %slice3A_437 = vector.extract_strided_slice %sub3A {offsets = [0, 1024], sizes = [1, 1024], strides = [1, 1]} : vector<1x2048xf32> to vector<1x1024xf32>
    %max3A_438 = vector.broadcast %sub3A_420 : vector<256x1xf32> to vector<256x1024xf32>
    %max3A_439 = vector.broadcast %slice3A_437 : vector<1x1024xf32> to vector<256x1024xf32>
    %max3A_440 = arith.maximumf %max3A_438, %max3A_439 : vector<256x1024xf32>
    %sub3A_441 = arith.subf %min3A_436, %max3A_440 : vector<256x1024xf32>
    %jit3A_442 = arith.constant 0.000000e+00 : f32
    %max3A_443 = vector.broadcast %jit3A_442 : f32 to vector<256x1024xf32>
    %max3A_444 = arith.maximumf %max3A_443, %sub3A_441 : vector<256x1024xf32>
    %slice3A_445 = vector.extract_strided_slice %add3A_26 {offsets = [0, 1024], sizes = [1, 1024], strides = [1, 1]} : vector<1x2048xf32> to vector<1x1024xf32>
    %min3A_446 = vector.broadcast %add3A_432 : vector<256x1xf32> to vector<256x1024xf32>
    %min3A_447 = vector.broadcast %slice3A_445 : vector<1x1024xf32> to vector<256x1024xf32>
    %min3A_448 = arith.minimumf %min3A_446, %min3A_447 : vector<256x1024xf32>
    %slice3A_449 = vector.extract_strided_slice %sub3A_22 {offsets = [0, 1024], sizes = [1, 1024], strides = [1, 1]} : vector<1x2048xf32> to vector<1x1024xf32>
    %max3A_450 = vector.broadcast %sub3A_428 : vector<256x1xf32> to vector<256x1024xf32>
    %max3A_451 = vector.broadcast %slice3A_449 : vector<1x1024xf32> to vector<256x1024xf32>
    %max3A_452 = arith.maximumf %max3A_450, %max3A_451 : vector<256x1024xf32>
    %sub3A_453 = arith.subf %min3A_448, %max3A_452 : vector<256x1024xf32>
    %jit3A_454 = arith.constant 0.000000e+00 : f32
    %max3A_455 = vector.broadcast %jit3A_454 : f32 to vector<256x1024xf32>
    %max3A_456 = arith.maximumf %max3A_455, %sub3A_453 : vector<256x1024xf32>
    %mul3A_457 = arith.mulf %max3A_444, %max3A_456 : vector<256x1024xf32>
    %mul3A_458 = arith.mulf %add3A_411, %add3A_416 : vector<256x1xf32>
    %slice3A_459 = vector.extract_strided_slice %mul3A_27 {offsets = [0, 1024], sizes = [1, 1024], strides = [1, 1]} : vector<1x2048xf32> to vector<1x1024xf32>
    %add3A_460 = vector.broadcast %mul3A_458 : vector<256x1xf32> to vector<256x1024xf32>
    %add3A_461 = vector.broadcast %slice3A_459 : vector<1x1024xf32> to vector<256x1024xf32>
    %add3A_462 = arith.addf %add3A_460, %add3A_461 : vector<256x1024xf32>
    %sub3A_463 = arith.subf %add3A_462, %mul3A_457 : vector<256x1024xf32>
    %jit3A_464 = arith.constant 9.99999997E-7 : f32
    %max3A_465 = vector.broadcast %jit3A_464 : f32 to vector<256x1024xf32>
    %max3A_466 = arith.maximumf %max3A_465, %sub3A_463 : vector<256x1024xf32>
    %div3A_467 = arith.divf %mul3A_457, %max3A_466 : vector<256x1024xf32>
    %iota3A_468 = tpu.iota {dimensions = array<i32: 0>} : vector<256x1024xi32>
    %iota3A_469 = tpu.iota {dimensions = array<i32: 1>} : vector<256x1024xi32>
    %gt3A_470 = arith.constant 1.000000e-01 : f32
    %gt3A_471 = vector.broadcast %gt3A_470 : f32 to vector<256x1024xf32>
    %gt3A_472 = arith.cmpf ogt, %div3A_467, %gt3A_471 : vector<256x1024xf32>
    %lt3A_473 = arith.cmpi slt, %iota3A_468, %iota3A_469 : vector<256x1024xi32>
    %and3A_474 = arith.andi %gt3A_472, %lt3A_473 : vector<256x1024xi1>
    %convert_element_type3A_475 = arith.extui %and3A_474 : vector<256x1024xi1> to vector<256x1024xi32>
    %convert_element_type3A_476 = arith.sitofp %convert_element_type3A_475 : vector<256x1024xi32> to vector<256x1024xf32>
    %convert_element_type3A_477 = arith.truncf %convert_element_type3A_476 : vector<256x1024xf32> to vector<256x1024xbf16>
    %slice3A_478 = vector.extract_strided_slice %convert_element_type3A_477 {offsets = [0, 0], sizes = [256, 256], strides = [1, 1]} : vector<256x1024xbf16> to vector<256x256xbf16>
    %slice3A_479 = vector.extract_strided_slice %add3A_399 {offsets = [0, 1024], sizes = [1, 256], strides = [1, 1]} : vector<1x2048xf32> to vector<1x256xf32>
    %eq3A_480 = arith.constant 0.000000e+00 : f32
    %eq3A_481 = vector.broadcast %eq3A_480 : f32 to vector<1x256xf32>
    %eq3A_482 = arith.cmpf oeq, %slice3A_479, %eq3A_481 : vector<1x256xf32>
    %jit3A_483 = arith.constant 1.000000e+00 : f32
    %jit3A_484 = arith.constant 0.000000e+00 : f32
    %broadcast_in_dim3A_485 = vector.broadcast %jit3A_483 : f32 to vector<1x256xf32>
    %broadcast_in_dim3A_486 = vector.broadcast %jit3A_484 : f32 to vector<1x256xf32>
    %select_n3A_487 = arith.select %eq3A_482, %broadcast_in_dim3A_485, %broadcast_in_dim3A_486 : vector<1x256xi1>, vector<1x256xf32>
    %while3A_488 = arith.constant true
    %while3A_489:2 = scf.while (%while3A_803 = %while3A_488, %while3A_804 = %select_n3A_487) : (i1, vector<1x256xf32>) -> (i1, vector<1x256xf32>) {
      scf.condition(%while3A_803) %while3A_803, %while3A_804 : i1, vector<1x256xf32>
    } do {
    ^bb0(%while3A_803: i1, %while3A_804: vector<1x256xf32>):
      %convert_element_type3A_805 = arith.truncf %while3A_804 : vector<1x256xf32> to vector<1x256xbf16>
      %dot_general3A_806 = arith.constant dense<0.000000e+00> : vector<1x256xf32>
      %dot_general3A_807 = tpu.matmul %convert_element_type3A_805, %slice3A_478, %dot_general3A_806 {dimension_numbers = #tpu.dot_dimension_numbers<[1], [0], [0], [1], [0, 0, 1, 1], [], []>, transpose_lhs_hint = false} : vector<1x256xbf16>, vector<256x256xbf16>, vector<1x256xf32> -> vector<1x256xf32>
      %gt3A_808 = arith.constant 0.000000e+00 : f32
      %gt3A_809 = vector.broadcast %gt3A_808 : f32 to vector<1x256xf32>
      %gt3A_810 = arith.cmpf ogt, %dot_general3A_807, %gt3A_809 : vector<1x256xf32>
      %not3A = arith.constant dense<true> : vector<1x256xi1>
      %not3A_811 = arith.xori %eq3A_482, %not3A : vector<1x256xi1>
      %or3A = arith.ori %gt3A_810, %not3A_811 : vector<1x256xi1>
      %jit3A_812 = arith.constant 0.000000e+00 : f32
      %jit3A_813 = arith.constant 1.000000e+00 : f32
      %broadcast_in_dim3A_814 = vector.broadcast %jit3A_812 : f32 to vector<1x256xf32>
      %broadcast_in_dim3A_815 = vector.broadcast %jit3A_813 : f32 to vector<1x256xf32>
      %select_n3A_816 = arith.select %or3A, %broadcast_in_dim3A_814, %broadcast_in_dim3A_815 : vector<1x256xi1>, vector<1x256xf32>
      %ne3A = arith.cmpf one, %select_n3A_816, %while3A_804 : vector<1x256xf32>
      %reduce_or3A = arith.constant 1.000000e+00 : f32
      %reduce_or3A_817 = arith.constant 0.000000e+00 : f32
      %reduce_or3A_818 = vector.broadcast %reduce_or3A : f32 to vector<1x256xf32>
      %reduce_or3A_819 = vector.broadcast %reduce_or3A_817 : f32 to vector<1x256xf32>
      %reduce_or3A_820 = arith.select %ne3A, %reduce_or3A_818, %reduce_or3A_819 : vector<1x256xi1>, vector<1x256xf32>
      %reduce_or3A_821 = vector.shape_cast %reduce_or3A_820 : vector<1x256xf32> to vector<1x1x256xf32>
      %reduce_or3A_822 = arith.constant dense<0xFF800000> : vector<1xf32>
      %reduce_or3A_823 = vector.multi_reduction <maximumf>, %reduce_or3A_821, %reduce_or3A_822 [1, 2] : vector<1x1x256xf32> to vector<1xf32>
      %reduce_or3A_824 = vector.shape_cast %reduce_or3A_823 : vector<1xf32> to vector<1x1x1xf32>
      %reduce_or3A_825 = vector.extract %reduce_or3A_824[0, 0, 0] : f32 from vector<1x1x1xf32>
      %reduce_or3A_826 = arith.constant 0.000000e+00 : f32
      %reduce_or3A_827 = arith.cmpf ogt, %reduce_or3A_825, %reduce_or3A_826 : f32
      scf.yield %reduce_or3A_827, %select_n3A_816 : i1, vector<1x256xf32>
    }
    %convert_element_type3A_490 = arith.truncf %while3A_489#1 : vector<1x256xf32> to vector<1x256xbf16>
    %dot_general3A_491 = arith.constant dense<0.000000e+00> : vector<1x1024xf32>
    %dot_general3A_492 = tpu.matmul %convert_element_type3A_490, %convert_element_type3A_477, %dot_general3A_491 {dimension_numbers = #tpu.dot_dimension_numbers<[1], [0], [0], [1], [0, 0, 1, 1], [], []>, transpose_lhs_hint = false} : vector<1x256xbf16>, vector<256x1024xbf16>, vector<1x1024xf32> -> vector<1x1024xf32>
    %jit3A_493 = arith.constant 0 : i32
    %convert_element_type3A_494 = arith.sitofp %jit3A_493 : i32 to f32
    %pad3A_495 = vector.broadcast %convert_element_type3A_494 : f32 to vector<1x1024xf32>
    %pad3A_496 = tpu.concatenate %pad3A_495, %dot_general3A_492 in 1 : vector<1x1024xf32>, vector<1x1024xf32> -> vector<1x2048xf32>
    %add3A_497 = arith.addf %add3A_399, %pad3A_496 : vector<1x2048xf32>
    %get3A_498 = arith.constant 0 : index
    %get3A_499 = arith.constant 1280 : index
    %get3A_500 = arith.constant 0 : index
    %get3A_501 = vector.load %arg1[%get3A_498, %get3A_499, %get3A_500] : memref<1x2048x8xf32, #tpu.memory_space<vmem>>, vector<1x256x8xf32>
    %get3A_502 = vector.shape_cast %get3A_501 : vector<1x256x8xf32> to vector<256x8xf32>
    %slice3A_503 = vector.extract_strided_slice %get3A_502 {offsets = [0, 0], sizes = [256, 1], strides = [1, 1]} : vector<256x8xf32> to vector<256x1xf32>
    %slice3A_504 = vector.extract_strided_slice %get3A_502 {offsets = [0, 1], sizes = [256, 1], strides = [1, 1]} : vector<256x8xf32> to vector<256x1xf32>
    %slice3A_505 = vector.extract_strided_slice %get3A_502 {offsets = [0, 2], sizes = [256, 1], strides = [1, 1]} : vector<256x8xf32> to vector<256x1xf32>
    %abs3A_506 = math.absf %slice3A_505 : vector<256x1xf32>
    %add3A_507 = arith.constant 1.000000e-03 : f32
    %add3A_508 = vector.broadcast %add3A_507 : f32 to vector<256x1xf32>
    %add3A_509 = arith.addf %abs3A_506, %add3A_508 : vector<256x1xf32>
    %slice3A_510 = vector.extract_strided_slice %get3A_502 {offsets = [0, 3], sizes = [256, 1], strides = [1, 1]} : vector<256x8xf32> to vector<256x1xf32>
    %abs3A_511 = math.absf %slice3A_510 : vector<256x1xf32>
    %add3A_512 = arith.constant 1.000000e-03 : f32
    %add3A_513 = vector.broadcast %add3A_512 : f32 to vector<256x1xf32>
    %add3A_514 = arith.addf %abs3A_511, %add3A_513 : vector<256x1xf32>
    %mul3A_515 = arith.constant 5.000000e-01 : f32
    %mul3A_516 = vector.broadcast %mul3A_515 : f32 to vector<256x1xf32>
    %mul3A_517 = arith.mulf %add3A_509, %mul3A_516 : vector<256x1xf32>
    %sub3A_518 = arith.subf %slice3A_503, %mul3A_517 : vector<256x1xf32>
    %mul3A_519 = arith.constant 5.000000e-01 : f32
    %mul3A_520 = vector.broadcast %mul3A_519 : f32 to vector<256x1xf32>
    %mul3A_521 = arith.mulf %add3A_509, %mul3A_520 : vector<256x1xf32>
    %add3A_522 = arith.addf %slice3A_503, %mul3A_521 : vector<256x1xf32>
    %mul3A_523 = arith.constant 5.000000e-01 : f32
    %mul3A_524 = vector.broadcast %mul3A_523 : f32 to vector<256x1xf32>
    %mul3A_525 = arith.mulf %add3A_514, %mul3A_524 : vector<256x1xf32>
    %sub3A_526 = arith.subf %slice3A_504, %mul3A_525 : vector<256x1xf32>
    %mul3A_527 = arith.constant 5.000000e-01 : f32
    %mul3A_528 = vector.broadcast %mul3A_527 : f32 to vector<256x1xf32>
    %mul3A_529 = arith.mulf %add3A_514, %mul3A_528 : vector<256x1xf32>
    %add3A_530 = arith.addf %slice3A_504, %mul3A_529 : vector<256x1xf32>
    %slice3A_531 = vector.extract_strided_slice %add3A_18 {offsets = [0, 1280], sizes = [1, 768], strides = [1, 1]} : vector<1x2048xf32> to vector<1x768xf32>
    %min3A_532 = vector.broadcast %add3A_522 : vector<256x1xf32> to vector<256x768xf32>
    %min3A_533 = vector.broadcast %slice3A_531 : vector<1x768xf32> to vector<256x768xf32>
    %min3A_534 = arith.minimumf %min3A_532, %min3A_533 : vector<256x768xf32>
    %slice3A_535 = vector.extract_strided_slice %sub3A {offsets = [0, 1280], sizes = [1, 768], strides = [1, 1]} : vector<1x2048xf32> to vector<1x768xf32>
    %max3A_536 = vector.broadcast %sub3A_518 : vector<256x1xf32> to vector<256x768xf32>
    %max3A_537 = vector.broadcast %slice3A_535 : vector<1x768xf32> to vector<256x768xf32>
    %max3A_538 = arith.maximumf %max3A_536, %max3A_537 : vector<256x768xf32>
    %sub3A_539 = arith.subf %min3A_534, %max3A_538 : vector<256x768xf32>
    %jit3A_540 = arith.constant 0.000000e+00 : f32
    %max3A_541 = vector.broadcast %jit3A_540 : f32 to vector<256x768xf32>
    %max3A_542 = arith.maximumf %max3A_541, %sub3A_539 : vector<256x768xf32>
    %slice3A_543 = vector.extract_strided_slice %add3A_26 {offsets = [0, 1280], sizes = [1, 768], strides = [1, 1]} : vector<1x2048xf32> to vector<1x768xf32>
    %min3A_544 = vector.broadcast %add3A_530 : vector<256x1xf32> to vector<256x768xf32>
    %min3A_545 = vector.broadcast %slice3A_543 : vector<1x768xf32> to vector<256x768xf32>
    %min3A_546 = arith.minimumf %min3A_544, %min3A_545 : vector<256x768xf32>
    %slice3A_547 = vector.extract_strided_slice %sub3A_22 {offsets = [0, 1280], sizes = [1, 768], strides = [1, 1]} : vector<1x2048xf32> to vector<1x768xf32>
    %max3A_548 = vector.broadcast %sub3A_526 : vector<256x1xf32> to vector<256x768xf32>
    %max3A_549 = vector.broadcast %slice3A_547 : vector<1x768xf32> to vector<256x768xf32>
    %max3A_550 = arith.maximumf %max3A_548, %max3A_549 : vector<256x768xf32>
    %sub3A_551 = arith.subf %min3A_546, %max3A_550 : vector<256x768xf32>
    %jit3A_552 = arith.constant 0.000000e+00 : f32
    %max3A_553 = vector.broadcast %jit3A_552 : f32 to vector<256x768xf32>
    %max3A_554 = arith.maximumf %max3A_553, %sub3A_551 : vector<256x768xf32>
    %mul3A_555 = arith.mulf %max3A_542, %max3A_554 : vector<256x768xf32>
    %mul3A_556 = arith.mulf %add3A_509, %add3A_514 : vector<256x1xf32>
    %slice3A_557 = vector.extract_strided_slice %mul3A_27 {offsets = [0, 1280], sizes = [1, 768], strides = [1, 1]} : vector<1x2048xf32> to vector<1x768xf32>
    %add3A_558 = vector.broadcast %mul3A_556 : vector<256x1xf32> to vector<256x768xf32>
    %add3A_559 = vector.broadcast %slice3A_557 : vector<1x768xf32> to vector<256x768xf32>
    %add3A_560 = arith.addf %add3A_558, %add3A_559 : vector<256x768xf32>
    %sub3A_561 = arith.subf %add3A_560, %mul3A_555 : vector<256x768xf32>
    %jit3A_562 = arith.constant 9.99999997E-7 : f32
    %max3A_563 = vector.broadcast %jit3A_562 : f32 to vector<256x768xf32>
    %max3A_564 = arith.maximumf %max3A_563, %sub3A_561 : vector<256x768xf32>
    %div3A_565 = arith.divf %mul3A_555, %max3A_564 : vector<256x768xf32>
    %iota3A_566 = tpu.iota {dimensions = array<i32: 0>} : vector<256x768xi32>
    %iota3A_567 = tpu.iota {dimensions = array<i32: 1>} : vector<256x768xi32>
    %gt3A_568 = arith.constant 1.000000e-01 : f32
    %gt3A_569 = vector.broadcast %gt3A_568 : f32 to vector<256x768xf32>
    %gt3A_570 = arith.cmpf ogt, %div3A_565, %gt3A_569 : vector<256x768xf32>
    %lt3A_571 = arith.cmpi slt, %iota3A_566, %iota3A_567 : vector<256x768xi32>
    %and3A_572 = arith.andi %gt3A_570, %lt3A_571 : vector<256x768xi1>
    %convert_element_type3A_573 = arith.extui %and3A_572 : vector<256x768xi1> to vector<256x768xi32>
    %convert_element_type3A_574 = arith.sitofp %convert_element_type3A_573 : vector<256x768xi32> to vector<256x768xf32>
    %convert_element_type3A_575 = arith.truncf %convert_element_type3A_574 : vector<256x768xf32> to vector<256x768xbf16>
    %slice3A_576 = vector.extract_strided_slice %convert_element_type3A_575 {offsets = [0, 0], sizes = [256, 256], strides = [1, 1]} : vector<256x768xbf16> to vector<256x256xbf16>
    %slice3A_577 = vector.extract_strided_slice %add3A_497 {offsets = [0, 1280], sizes = [1, 256], strides = [1, 1]} : vector<1x2048xf32> to vector<1x256xf32>
    %eq3A_578 = arith.constant 0.000000e+00 : f32
    %eq3A_579 = vector.broadcast %eq3A_578 : f32 to vector<1x256xf32>
    %eq3A_580 = arith.cmpf oeq, %slice3A_577, %eq3A_579 : vector<1x256xf32>
    %jit3A_581 = arith.constant 1.000000e+00 : f32
    %jit3A_582 = arith.constant 0.000000e+00 : f32
    %broadcast_in_dim3A_583 = vector.broadcast %jit3A_581 : f32 to vector<1x256xf32>
    %broadcast_in_dim3A_584 = vector.broadcast %jit3A_582 : f32 to vector<1x256xf32>
    %select_n3A_585 = arith.select %eq3A_580, %broadcast_in_dim3A_583, %broadcast_in_dim3A_584 : vector<1x256xi1>, vector<1x256xf32>
    %while3A_586 = arith.constant true
    %while3A_587:2 = scf.while (%while3A_803 = %while3A_586, %while3A_804 = %select_n3A_585) : (i1, vector<1x256xf32>) -> (i1, vector<1x256xf32>) {
      scf.condition(%while3A_803) %while3A_803, %while3A_804 : i1, vector<1x256xf32>
    } do {
    ^bb0(%while3A_803: i1, %while3A_804: vector<1x256xf32>):
      %convert_element_type3A_805 = arith.truncf %while3A_804 : vector<1x256xf32> to vector<1x256xbf16>
      %dot_general3A_806 = arith.constant dense<0.000000e+00> : vector<1x256xf32>
      %dot_general3A_807 = tpu.matmul %convert_element_type3A_805, %slice3A_576, %dot_general3A_806 {dimension_numbers = #tpu.dot_dimension_numbers<[1], [0], [0], [1], [0, 0, 1, 1], [], []>, transpose_lhs_hint = false} : vector<1x256xbf16>, vector<256x256xbf16>, vector<1x256xf32> -> vector<1x256xf32>
      %gt3A_808 = arith.constant 0.000000e+00 : f32
      %gt3A_809 = vector.broadcast %gt3A_808 : f32 to vector<1x256xf32>
      %gt3A_810 = arith.cmpf ogt, %dot_general3A_807, %gt3A_809 : vector<1x256xf32>
      %not3A = arith.constant dense<true> : vector<1x256xi1>
      %not3A_811 = arith.xori %eq3A_580, %not3A : vector<1x256xi1>
      %or3A = arith.ori %gt3A_810, %not3A_811 : vector<1x256xi1>
      %jit3A_812 = arith.constant 0.000000e+00 : f32
      %jit3A_813 = arith.constant 1.000000e+00 : f32
      %broadcast_in_dim3A_814 = vector.broadcast %jit3A_812 : f32 to vector<1x256xf32>
      %broadcast_in_dim3A_815 = vector.broadcast %jit3A_813 : f32 to vector<1x256xf32>
      %select_n3A_816 = arith.select %or3A, %broadcast_in_dim3A_814, %broadcast_in_dim3A_815 : vector<1x256xi1>, vector<1x256xf32>
      %ne3A = arith.cmpf one, %select_n3A_816, %while3A_804 : vector<1x256xf32>
      %reduce_or3A = arith.constant 1.000000e+00 : f32
      %reduce_or3A_817 = arith.constant 0.000000e+00 : f32
      %reduce_or3A_818 = vector.broadcast %reduce_or3A : f32 to vector<1x256xf32>
      %reduce_or3A_819 = vector.broadcast %reduce_or3A_817 : f32 to vector<1x256xf32>
      %reduce_or3A_820 = arith.select %ne3A, %reduce_or3A_818, %reduce_or3A_819 : vector<1x256xi1>, vector<1x256xf32>
      %reduce_or3A_821 = vector.shape_cast %reduce_or3A_820 : vector<1x256xf32> to vector<1x1x256xf32>
      %reduce_or3A_822 = arith.constant dense<0xFF800000> : vector<1xf32>
      %reduce_or3A_823 = vector.multi_reduction <maximumf>, %reduce_or3A_821, %reduce_or3A_822 [1, 2] : vector<1x1x256xf32> to vector<1xf32>
      %reduce_or3A_824 = vector.shape_cast %reduce_or3A_823 : vector<1xf32> to vector<1x1x1xf32>
      %reduce_or3A_825 = vector.extract %reduce_or3A_824[0, 0, 0] : f32 from vector<1x1x1xf32>
      %reduce_or3A_826 = arith.constant 0.000000e+00 : f32
      %reduce_or3A_827 = arith.cmpf ogt, %reduce_or3A_825, %reduce_or3A_826 : f32
      scf.yield %reduce_or3A_827, %select_n3A_816 : i1, vector<1x256xf32>
    }
    %convert_element_type3A_588 = arith.truncf %while3A_587#1 : vector<1x256xf32> to vector<1x256xbf16>
    %dot_general3A_589 = arith.constant dense<0.000000e+00> : vector<1x768xf32>
    %dot_general3A_590 = tpu.matmul %convert_element_type3A_588, %convert_element_type3A_575, %dot_general3A_589 {dimension_numbers = #tpu.dot_dimension_numbers<[1], [0], [0], [1], [0, 0, 1, 1], [], []>, transpose_lhs_hint = false} : vector<1x256xbf16>, vector<256x768xbf16>, vector<1x768xf32> -> vector<1x768xf32>
    %jit3A_591 = arith.constant 0 : i32
    %convert_element_type3A_592 = arith.sitofp %jit3A_591 : i32 to f32
    %pad3A_593 = vector.broadcast %convert_element_type3A_592 : f32 to vector<1x1280xf32>
    %pad3A_594 = tpu.concatenate %pad3A_593, %dot_general3A_590 in 1 : vector<1x1280xf32>, vector<1x768xf32> -> vector<1x2048xf32>
    %add3A_595 = arith.addf %add3A_497, %pad3A_594 : vector<1x2048xf32>
    %get3A_596 = arith.constant 0 : index
    %get3A_597 = arith.constant 1536 : index
    %get3A_598 = arith.constant 0 : index
    %get3A_599 = vector.load %arg1[%get3A_596, %get3A_597, %get3A_598] : memref<1x2048x8xf32, #tpu.memory_space<vmem>>, vector<1x256x8xf32>
    %get3A_600 = vector.shape_cast %get3A_599 : vector<1x256x8xf32> to vector<256x8xf32>
    %slice3A_601 = vector.extract_strided_slice %get3A_600 {offsets = [0, 0], sizes = [256, 1], strides = [1, 1]} : vector<256x8xf32> to vector<256x1xf32>
    %slice3A_602 = vector.extract_strided_slice %get3A_600 {offsets = [0, 1], sizes = [256, 1], strides = [1, 1]} : vector<256x8xf32> to vector<256x1xf32>
    %slice3A_603 = vector.extract_strided_slice %get3A_600 {offsets = [0, 2], sizes = [256, 1], strides = [1, 1]} : vector<256x8xf32> to vector<256x1xf32>
    %abs3A_604 = math.absf %slice3A_603 : vector<256x1xf32>
    %add3A_605 = arith.constant 1.000000e-03 : f32
    %add3A_606 = vector.broadcast %add3A_605 : f32 to vector<256x1xf32>
    %add3A_607 = arith.addf %abs3A_604, %add3A_606 : vector<256x1xf32>
    %slice3A_608 = vector.extract_strided_slice %get3A_600 {offsets = [0, 3], sizes = [256, 1], strides = [1, 1]} : vector<256x8xf32> to vector<256x1xf32>
    %abs3A_609 = math.absf %slice3A_608 : vector<256x1xf32>
    %add3A_610 = arith.constant 1.000000e-03 : f32
    %add3A_611 = vector.broadcast %add3A_610 : f32 to vector<256x1xf32>
    %add3A_612 = arith.addf %abs3A_609, %add3A_611 : vector<256x1xf32>
    %mul3A_613 = arith.constant 5.000000e-01 : f32
    %mul3A_614 = vector.broadcast %mul3A_613 : f32 to vector<256x1xf32>
    %mul3A_615 = arith.mulf %add3A_607, %mul3A_614 : vector<256x1xf32>
    %sub3A_616 = arith.subf %slice3A_601, %mul3A_615 : vector<256x1xf32>
    %mul3A_617 = arith.constant 5.000000e-01 : f32
    %mul3A_618 = vector.broadcast %mul3A_617 : f32 to vector<256x1xf32>
    %mul3A_619 = arith.mulf %add3A_607, %mul3A_618 : vector<256x1xf32>
    %add3A_620 = arith.addf %slice3A_601, %mul3A_619 : vector<256x1xf32>
    %mul3A_621 = arith.constant 5.000000e-01 : f32
    %mul3A_622 = vector.broadcast %mul3A_621 : f32 to vector<256x1xf32>
    %mul3A_623 = arith.mulf %add3A_612, %mul3A_622 : vector<256x1xf32>
    %sub3A_624 = arith.subf %slice3A_602, %mul3A_623 : vector<256x1xf32>
    %mul3A_625 = arith.constant 5.000000e-01 : f32
    %mul3A_626 = vector.broadcast %mul3A_625 : f32 to vector<256x1xf32>
    %mul3A_627 = arith.mulf %add3A_612, %mul3A_626 : vector<256x1xf32>
    %add3A_628 = arith.addf %slice3A_602, %mul3A_627 : vector<256x1xf32>
    %slice3A_629 = vector.extract_strided_slice %add3A_18 {offsets = [0, 1536], sizes = [1, 512], strides = [1, 1]} : vector<1x2048xf32> to vector<1x512xf32>
    %min3A_630 = vector.broadcast %add3A_620 : vector<256x1xf32> to vector<256x512xf32>
    %min3A_631 = vector.broadcast %slice3A_629 : vector<1x512xf32> to vector<256x512xf32>
    %min3A_632 = arith.minimumf %min3A_630, %min3A_631 : vector<256x512xf32>
    %slice3A_633 = vector.extract_strided_slice %sub3A {offsets = [0, 1536], sizes = [1, 512], strides = [1, 1]} : vector<1x2048xf32> to vector<1x512xf32>
    %max3A_634 = vector.broadcast %sub3A_616 : vector<256x1xf32> to vector<256x512xf32>
    %max3A_635 = vector.broadcast %slice3A_633 : vector<1x512xf32> to vector<256x512xf32>
    %max3A_636 = arith.maximumf %max3A_634, %max3A_635 : vector<256x512xf32>
    %sub3A_637 = arith.subf %min3A_632, %max3A_636 : vector<256x512xf32>
    %jit3A_638 = arith.constant 0.000000e+00 : f32
    %max3A_639 = vector.broadcast %jit3A_638 : f32 to vector<256x512xf32>
    %max3A_640 = arith.maximumf %max3A_639, %sub3A_637 : vector<256x512xf32>
    %slice3A_641 = vector.extract_strided_slice %add3A_26 {offsets = [0, 1536], sizes = [1, 512], strides = [1, 1]} : vector<1x2048xf32> to vector<1x512xf32>
    %min3A_642 = vector.broadcast %add3A_628 : vector<256x1xf32> to vector<256x512xf32>
    %min3A_643 = vector.broadcast %slice3A_641 : vector<1x512xf32> to vector<256x512xf32>
    %min3A_644 = arith.minimumf %min3A_642, %min3A_643 : vector<256x512xf32>
    %slice3A_645 = vector.extract_strided_slice %sub3A_22 {offsets = [0, 1536], sizes = [1, 512], strides = [1, 1]} : vector<1x2048xf32> to vector<1x512xf32>
    %max3A_646 = vector.broadcast %sub3A_624 : vector<256x1xf32> to vector<256x512xf32>
    %max3A_647 = vector.broadcast %slice3A_645 : vector<1x512xf32> to vector<256x512xf32>
    %max3A_648 = arith.maximumf %max3A_646, %max3A_647 : vector<256x512xf32>
    %sub3A_649 = arith.subf %min3A_644, %max3A_648 : vector<256x512xf32>
    %jit3A_650 = arith.constant 0.000000e+00 : f32
    %max3A_651 = vector.broadcast %jit3A_650 : f32 to vector<256x512xf32>
    %max3A_652 = arith.maximumf %max3A_651, %sub3A_649 : vector<256x512xf32>
    %mul3A_653 = arith.mulf %max3A_640, %max3A_652 : vector<256x512xf32>
    %mul3A_654 = arith.mulf %add3A_607, %add3A_612 : vector<256x1xf32>
    %slice3A_655 = vector.extract_strided_slice %mul3A_27 {offsets = [0, 1536], sizes = [1, 512], strides = [1, 1]} : vector<1x2048xf32> to vector<1x512xf32>
    %add3A_656 = vector.broadcast %mul3A_654 : vector<256x1xf32> to vector<256x512xf32>
    %add3A_657 = vector.broadcast %slice3A_655 : vector<1x512xf32> to vector<256x512xf32>
    %add3A_658 = arith.addf %add3A_656, %add3A_657 : vector<256x512xf32>
    %sub3A_659 = arith.subf %add3A_658, %mul3A_653 : vector<256x512xf32>
    %jit3A_660 = arith.constant 9.99999997E-7 : f32
    %max3A_661 = vector.broadcast %jit3A_660 : f32 to vector<256x512xf32>
    %max3A_662 = arith.maximumf %max3A_661, %sub3A_659 : vector<256x512xf32>
    %div3A_663 = arith.divf %mul3A_653, %max3A_662 : vector<256x512xf32>
    %iota3A_664 = tpu.iota {dimensions = array<i32: 0>} : vector<256x512xi32>
    %iota3A_665 = tpu.iota {dimensions = array<i32: 1>} : vector<256x512xi32>
    %gt3A_666 = arith.constant 1.000000e-01 : f32
    %gt3A_667 = vector.broadcast %gt3A_666 : f32 to vector<256x512xf32>
    %gt3A_668 = arith.cmpf ogt, %div3A_663, %gt3A_667 : vector<256x512xf32>
    %lt3A_669 = arith.cmpi slt, %iota3A_664, %iota3A_665 : vector<256x512xi32>
    %and3A_670 = arith.andi %gt3A_668, %lt3A_669 : vector<256x512xi1>
    %convert_element_type3A_671 = arith.extui %and3A_670 : vector<256x512xi1> to vector<256x512xi32>
    %convert_element_type3A_672 = arith.sitofp %convert_element_type3A_671 : vector<256x512xi32> to vector<256x512xf32>
    %convert_element_type3A_673 = arith.truncf %convert_element_type3A_672 : vector<256x512xf32> to vector<256x512xbf16>
    %slice3A_674 = vector.extract_strided_slice %convert_element_type3A_673 {offsets = [0, 0], sizes = [256, 256], strides = [1, 1]} : vector<256x512xbf16> to vector<256x256xbf16>
    %slice3A_675 = vector.extract_strided_slice %add3A_595 {offsets = [0, 1536], sizes = [1, 256], strides = [1, 1]} : vector<1x2048xf32> to vector<1x256xf32>
    %eq3A_676 = arith.constant 0.000000e+00 : f32
    %eq3A_677 = vector.broadcast %eq3A_676 : f32 to vector<1x256xf32>
    %eq3A_678 = arith.cmpf oeq, %slice3A_675, %eq3A_677 : vector<1x256xf32>
    %jit3A_679 = arith.constant 1.000000e+00 : f32
    %jit3A_680 = arith.constant 0.000000e+00 : f32
    %broadcast_in_dim3A_681 = vector.broadcast %jit3A_679 : f32 to vector<1x256xf32>
    %broadcast_in_dim3A_682 = vector.broadcast %jit3A_680 : f32 to vector<1x256xf32>
    %select_n3A_683 = arith.select %eq3A_678, %broadcast_in_dim3A_681, %broadcast_in_dim3A_682 : vector<1x256xi1>, vector<1x256xf32>
    %while3A_684 = arith.constant true
    %while3A_685:2 = scf.while (%while3A_803 = %while3A_684, %while3A_804 = %select_n3A_683) : (i1, vector<1x256xf32>) -> (i1, vector<1x256xf32>) {
      scf.condition(%while3A_803) %while3A_803, %while3A_804 : i1, vector<1x256xf32>
    } do {
    ^bb0(%while3A_803: i1, %while3A_804: vector<1x256xf32>):
      %convert_element_type3A_805 = arith.truncf %while3A_804 : vector<1x256xf32> to vector<1x256xbf16>
      %dot_general3A_806 = arith.constant dense<0.000000e+00> : vector<1x256xf32>
      %dot_general3A_807 = tpu.matmul %convert_element_type3A_805, %slice3A_674, %dot_general3A_806 {dimension_numbers = #tpu.dot_dimension_numbers<[1], [0], [0], [1], [0, 0, 1, 1], [], []>, transpose_lhs_hint = false} : vector<1x256xbf16>, vector<256x256xbf16>, vector<1x256xf32> -> vector<1x256xf32>
      %gt3A_808 = arith.constant 0.000000e+00 : f32
      %gt3A_809 = vector.broadcast %gt3A_808 : f32 to vector<1x256xf32>
      %gt3A_810 = arith.cmpf ogt, %dot_general3A_807, %gt3A_809 : vector<1x256xf32>
      %not3A = arith.constant dense<true> : vector<1x256xi1>
      %not3A_811 = arith.xori %eq3A_678, %not3A : vector<1x256xi1>
      %or3A = arith.ori %gt3A_810, %not3A_811 : vector<1x256xi1>
      %jit3A_812 = arith.constant 0.000000e+00 : f32
      %jit3A_813 = arith.constant 1.000000e+00 : f32
      %broadcast_in_dim3A_814 = vector.broadcast %jit3A_812 : f32 to vector<1x256xf32>
      %broadcast_in_dim3A_815 = vector.broadcast %jit3A_813 : f32 to vector<1x256xf32>
      %select_n3A_816 = arith.select %or3A, %broadcast_in_dim3A_814, %broadcast_in_dim3A_815 : vector<1x256xi1>, vector<1x256xf32>
      %ne3A = arith.cmpf one, %select_n3A_816, %while3A_804 : vector<1x256xf32>
      %reduce_or3A = arith.constant 1.000000e+00 : f32
      %reduce_or3A_817 = arith.constant 0.000000e+00 : f32
      %reduce_or3A_818 = vector.broadcast %reduce_or3A : f32 to vector<1x256xf32>
      %reduce_or3A_819 = vector.broadcast %reduce_or3A_817 : f32 to vector<1x256xf32>
      %reduce_or3A_820 = arith.select %ne3A, %reduce_or3A_818, %reduce_or3A_819 : vector<1x256xi1>, vector<1x256xf32>
      %reduce_or3A_821 = vector.shape_cast %reduce_or3A_820 : vector<1x256xf32> to vector<1x1x256xf32>
      %reduce_or3A_822 = arith.constant dense<0xFF800000> : vector<1xf32>
      %reduce_or3A_823 = vector.multi_reduction <maximumf>, %reduce_or3A_821, %reduce_or3A_822 [1, 2] : vector<1x1x256xf32> to vector<1xf32>
      %reduce_or3A_824 = vector.shape_cast %reduce_or3A_823 : vector<1xf32> to vector<1x1x1xf32>
      %reduce_or3A_825 = vector.extract %reduce_or3A_824[0, 0, 0] : f32 from vector<1x1x1xf32>
      %reduce_or3A_826 = arith.constant 0.000000e+00 : f32
      %reduce_or3A_827 = arith.cmpf ogt, %reduce_or3A_825, %reduce_or3A_826 : f32
      scf.yield %reduce_or3A_827, %select_n3A_816 : i1, vector<1x256xf32>
    }
    %convert_element_type3A_686 = arith.truncf %while3A_685#1 : vector<1x256xf32> to vector<1x256xbf16>
    %dot_general3A_687 = arith.constant dense<0.000000e+00> : vector<1x512xf32>
    %dot_general3A_688 = tpu.matmul %convert_element_type3A_686, %convert_element_type3A_673, %dot_general3A_687 {dimension_numbers = #tpu.dot_dimension_numbers<[1], [0], [0], [1], [0, 0, 1, 1], [], []>, transpose_lhs_hint = false} : vector<1x256xbf16>, vector<256x512xbf16>, vector<1x512xf32> -> vector<1x512xf32>
    %jit3A_689 = arith.constant 0 : i32
    %convert_element_type3A_690 = arith.sitofp %jit3A_689 : i32 to f32
    %pad3A_691 = vector.broadcast %convert_element_type3A_690 : f32 to vector<1x1536xf32>
    %pad3A_692 = tpu.concatenate %pad3A_691, %dot_general3A_688 in 1 : vector<1x1536xf32>, vector<1x512xf32> -> vector<1x2048xf32>
    %add3A_693 = arith.addf %add3A_595, %pad3A_692 : vector<1x2048xf32>
    %get3A_694 = arith.constant 0 : index
    %get3A_695 = arith.constant 1792 : index
    %get3A_696 = arith.constant 0 : index
    %get3A_697 = vector.load %arg1[%get3A_694, %get3A_695, %get3A_696] : memref<1x2048x8xf32, #tpu.memory_space<vmem>>, vector<1x256x8xf32>
    %get3A_698 = vector.shape_cast %get3A_697 : vector<1x256x8xf32> to vector<256x8xf32>
    %slice3A_699 = vector.extract_strided_slice %get3A_698 {offsets = [0, 0], sizes = [256, 1], strides = [1, 1]} : vector<256x8xf32> to vector<256x1xf32>
    %slice3A_700 = vector.extract_strided_slice %get3A_698 {offsets = [0, 1], sizes = [256, 1], strides = [1, 1]} : vector<256x8xf32> to vector<256x1xf32>
    %slice3A_701 = vector.extract_strided_slice %get3A_698 {offsets = [0, 2], sizes = [256, 1], strides = [1, 1]} : vector<256x8xf32> to vector<256x1xf32>
    %abs3A_702 = math.absf %slice3A_701 : vector<256x1xf32>
    %add3A_703 = arith.constant 1.000000e-03 : f32
    %add3A_704 = vector.broadcast %add3A_703 : f32 to vector<256x1xf32>
    %add3A_705 = arith.addf %abs3A_702, %add3A_704 : vector<256x1xf32>
    %slice3A_706 = vector.extract_strided_slice %get3A_698 {offsets = [0, 3], sizes = [256, 1], strides = [1, 1]} : vector<256x8xf32> to vector<256x1xf32>
    %abs3A_707 = math.absf %slice3A_706 : vector<256x1xf32>
    %add3A_708 = arith.constant 1.000000e-03 : f32
    %add3A_709 = vector.broadcast %add3A_708 : f32 to vector<256x1xf32>
    %add3A_710 = arith.addf %abs3A_707, %add3A_709 : vector<256x1xf32>
    %mul3A_711 = arith.constant 5.000000e-01 : f32
    %mul3A_712 = vector.broadcast %mul3A_711 : f32 to vector<256x1xf32>
    %mul3A_713 = arith.mulf %add3A_705, %mul3A_712 : vector<256x1xf32>
    %sub3A_714 = arith.subf %slice3A_699, %mul3A_713 : vector<256x1xf32>
    %mul3A_715 = arith.constant 5.000000e-01 : f32
    %mul3A_716 = vector.broadcast %mul3A_715 : f32 to vector<256x1xf32>
    %mul3A_717 = arith.mulf %add3A_705, %mul3A_716 : vector<256x1xf32>
    %add3A_718 = arith.addf %slice3A_699, %mul3A_717 : vector<256x1xf32>
    %mul3A_719 = arith.constant 5.000000e-01 : f32
    %mul3A_720 = vector.broadcast %mul3A_719 : f32 to vector<256x1xf32>
    %mul3A_721 = arith.mulf %add3A_710, %mul3A_720 : vector<256x1xf32>
    %sub3A_722 = arith.subf %slice3A_700, %mul3A_721 : vector<256x1xf32>
    %mul3A_723 = arith.constant 5.000000e-01 : f32
    %mul3A_724 = vector.broadcast %mul3A_723 : f32 to vector<256x1xf32>
    %mul3A_725 = arith.mulf %add3A_710, %mul3A_724 : vector<256x1xf32>
    %add3A_726 = arith.addf %slice3A_700, %mul3A_725 : vector<256x1xf32>
    %slice3A_727 = vector.extract_strided_slice %add3A_18 {offsets = [0, 1792], sizes = [1, 256], strides = [1, 1]} : vector<1x2048xf32> to vector<1x256xf32>
    %min3A_728 = vector.broadcast %add3A_718 : vector<256x1xf32> to vector<256x256xf32>
    %min3A_729 = vector.broadcast %slice3A_727 : vector<1x256xf32> to vector<256x256xf32>
    %min3A_730 = arith.minimumf %min3A_728, %min3A_729 : vector<256x256xf32>
    %slice3A_731 = vector.extract_strided_slice %sub3A {offsets = [0, 1792], sizes = [1, 256], strides = [1, 1]} : vector<1x2048xf32> to vector<1x256xf32>
    %max3A_732 = vector.broadcast %sub3A_714 : vector<256x1xf32> to vector<256x256xf32>
    %max3A_733 = vector.broadcast %slice3A_731 : vector<1x256xf32> to vector<256x256xf32>
    %max3A_734 = arith.maximumf %max3A_732, %max3A_733 : vector<256x256xf32>
    %sub3A_735 = arith.subf %min3A_730, %max3A_734 : vector<256x256xf32>
    %jit3A_736 = arith.constant 0.000000e+00 : f32
    %max3A_737 = vector.broadcast %jit3A_736 : f32 to vector<256x256xf32>
    %max3A_738 = arith.maximumf %max3A_737, %sub3A_735 : vector<256x256xf32>
    %slice3A_739 = vector.extract_strided_slice %add3A_26 {offsets = [0, 1792], sizes = [1, 256], strides = [1, 1]} : vector<1x2048xf32> to vector<1x256xf32>
    %min3A_740 = vector.broadcast %add3A_726 : vector<256x1xf32> to vector<256x256xf32>
    %min3A_741 = vector.broadcast %slice3A_739 : vector<1x256xf32> to vector<256x256xf32>
    %min3A_742 = arith.minimumf %min3A_740, %min3A_741 : vector<256x256xf32>
    %slice3A_743 = vector.extract_strided_slice %sub3A_22 {offsets = [0, 1792], sizes = [1, 256], strides = [1, 1]} : vector<1x2048xf32> to vector<1x256xf32>
    %max3A_744 = vector.broadcast %sub3A_722 : vector<256x1xf32> to vector<256x256xf32>
    %max3A_745 = vector.broadcast %slice3A_743 : vector<1x256xf32> to vector<256x256xf32>
    %max3A_746 = arith.maximumf %max3A_744, %max3A_745 : vector<256x256xf32>
    %sub3A_747 = arith.subf %min3A_742, %max3A_746 : vector<256x256xf32>
    %jit3A_748 = arith.constant 0.000000e+00 : f32
    %max3A_749 = vector.broadcast %jit3A_748 : f32 to vector<256x256xf32>
    %max3A_750 = arith.maximumf %max3A_749, %sub3A_747 : vector<256x256xf32>
    %mul3A_751 = arith.mulf %max3A_738, %max3A_750 : vector<256x256xf32>
    %mul3A_752 = arith.mulf %add3A_705, %add3A_710 : vector<256x1xf32>
    %slice3A_753 = vector.extract_strided_slice %mul3A_27 {offsets = [0, 1792], sizes = [1, 256], strides = [1, 1]} : vector<1x2048xf32> to vector<1x256xf32>
    %add3A_754 = vector.broadcast %mul3A_752 : vector<256x1xf32> to vector<256x256xf32>
    %add3A_755 = vector.broadcast %slice3A_753 : vector<1x256xf32> to vector<256x256xf32>
    %add3A_756 = arith.addf %add3A_754, %add3A_755 : vector<256x256xf32>
    %sub3A_757 = arith.subf %add3A_756, %mul3A_751 : vector<256x256xf32>
    %jit3A_758 = arith.constant 9.99999997E-7 : f32
    %max3A_759 = vector.broadcast %jit3A_758 : f32 to vector<256x256xf32>
    %max3A_760 = arith.maximumf %max3A_759, %sub3A_757 : vector<256x256xf32>
    %div3A_761 = arith.divf %mul3A_751, %max3A_760 : vector<256x256xf32>
    %iota3A_762 = tpu.iota {dimensions = array<i32: 0>} : vector<256x256xi32>
    %iota3A_763 = tpu.iota {dimensions = array<i32: 1>} : vector<256x256xi32>
    %gt3A_764 = arith.constant 1.000000e-01 : f32
    %gt3A_765 = vector.broadcast %gt3A_764 : f32 to vector<256x256xf32>
    %gt3A_766 = arith.cmpf ogt, %div3A_761, %gt3A_765 : vector<256x256xf32>
    %lt3A_767 = arith.cmpi slt, %iota3A_762, %iota3A_763 : vector<256x256xi32>
    %and3A_768 = arith.andi %gt3A_766, %lt3A_767 : vector<256x256xi1>
    %convert_element_type3A_769 = arith.extui %and3A_768 : vector<256x256xi1> to vector<256x256xi32>
    %convert_element_type3A_770 = arith.sitofp %convert_element_type3A_769 : vector<256x256xi32> to vector<256x256xf32>
    %convert_element_type3A_771 = arith.truncf %convert_element_type3A_770 : vector<256x256xf32> to vector<256x256xbf16>
    %slice3A_772 = vector.extract_strided_slice %add3A_693 {offsets = [0, 1792], sizes = [1, 256], strides = [1, 1]} : vector<1x2048xf32> to vector<1x256xf32>
    %eq3A_773 = arith.constant 0.000000e+00 : f32
    %eq3A_774 = vector.broadcast %eq3A_773 : f32 to vector<1x256xf32>
    %eq3A_775 = arith.cmpf oeq, %slice3A_772, %eq3A_774 : vector<1x256xf32>
    %jit3A_776 = arith.constant 1.000000e+00 : f32
    %jit3A_777 = arith.constant 0.000000e+00 : f32
    %broadcast_in_dim3A_778 = vector.broadcast %jit3A_776 : f32 to vector<1x256xf32>
    %broadcast_in_dim3A_779 = vector.broadcast %jit3A_777 : f32 to vector<1x256xf32>
    %select_n3A_780 = arith.select %eq3A_775, %broadcast_in_dim3A_778, %broadcast_in_dim3A_779 : vector<1x256xi1>, vector<1x256xf32>
    %while3A_781 = arith.constant true
    %while3A_782:2 = scf.while (%while3A_803 = %while3A_781, %while3A_804 = %select_n3A_780) : (i1, vector<1x256xf32>) -> (i1, vector<1x256xf32>) {
      scf.condition(%while3A_803) %while3A_803, %while3A_804 : i1, vector<1x256xf32>
    } do {
    ^bb0(%while3A_803: i1, %while3A_804: vector<1x256xf32>):
      %convert_element_type3A_805 = arith.truncf %while3A_804 : vector<1x256xf32> to vector<1x256xbf16>
      %dot_general3A_806 = arith.constant dense<0.000000e+00> : vector<1x256xf32>
      %dot_general3A_807 = tpu.matmul %convert_element_type3A_805, %convert_element_type3A_771, %dot_general3A_806 {dimension_numbers = #tpu.dot_dimension_numbers<[1], [0], [0], [1], [0, 0, 1, 1], [], []>, transpose_lhs_hint = false} : vector<1x256xbf16>, vector<256x256xbf16>, vector<1x256xf32> -> vector<1x256xf32>
      %gt3A_808 = arith.constant 0.000000e+00 : f32
      %gt3A_809 = vector.broadcast %gt3A_808 : f32 to vector<1x256xf32>
      %gt3A_810 = arith.cmpf ogt, %dot_general3A_807, %gt3A_809 : vector<1x256xf32>
      %not3A = arith.constant dense<true> : vector<1x256xi1>
      %not3A_811 = arith.xori %eq3A_775, %not3A : vector<1x256xi1>
      %or3A = arith.ori %gt3A_810, %not3A_811 : vector<1x256xi1>
      %jit3A_812 = arith.constant 0.000000e+00 : f32
      %jit3A_813 = arith.constant 1.000000e+00 : f32
      %broadcast_in_dim3A_814 = vector.broadcast %jit3A_812 : f32 to vector<1x256xf32>
      %broadcast_in_dim3A_815 = vector.broadcast %jit3A_813 : f32 to vector<1x256xf32>
      %select_n3A_816 = arith.select %or3A, %broadcast_in_dim3A_814, %broadcast_in_dim3A_815 : vector<1x256xi1>, vector<1x256xf32>
      %ne3A = arith.cmpf one, %select_n3A_816, %while3A_804 : vector<1x256xf32>
      %reduce_or3A = arith.constant 1.000000e+00 : f32
      %reduce_or3A_817 = arith.constant 0.000000e+00 : f32
      %reduce_or3A_818 = vector.broadcast %reduce_or3A : f32 to vector<1x256xf32>
      %reduce_or3A_819 = vector.broadcast %reduce_or3A_817 : f32 to vector<1x256xf32>
      %reduce_or3A_820 = arith.select %ne3A, %reduce_or3A_818, %reduce_or3A_819 : vector<1x256xi1>, vector<1x256xf32>
      %reduce_or3A_821 = vector.shape_cast %reduce_or3A_820 : vector<1x256xf32> to vector<1x1x256xf32>
      %reduce_or3A_822 = arith.constant dense<0xFF800000> : vector<1xf32>
      %reduce_or3A_823 = vector.multi_reduction <maximumf>, %reduce_or3A_821, %reduce_or3A_822 [1, 2] : vector<1x1x256xf32> to vector<1xf32>
      %reduce_or3A_824 = vector.shape_cast %reduce_or3A_823 : vector<1xf32> to vector<1x1x1xf32>
      %reduce_or3A_825 = vector.extract %reduce_or3A_824[0, 0, 0] : f32 from vector<1x1x1xf32>
      %reduce_or3A_826 = arith.constant 0.000000e+00 : f32
      %reduce_or3A_827 = arith.cmpf ogt, %reduce_or3A_825, %reduce_or3A_826 : f32
      scf.yield %reduce_or3A_827, %select_n3A_816 : i1, vector<1x256xf32>
    }
    %concatenate3A = tpu.concatenate %while3A_101#1, %while3A_196#1, %while3A_293#1, %while3A_391#1, %while3A_489#1, %while3A_587#1, %while3A_685#1, %while3A_782#1 in 1 : vector<1x256xf32>, vector<1x256xf32>, vector<1x256xf32>, vector<1x256xf32>, vector<1x256xf32>, vector<1x256xf32>, vector<1x256xf32>, vector<1x256xf32> -> vector<1x2048xf32>
    %get3A_783 = arith.constant 0 : index
    %get3A_784 = arith.constant 0 : index
    %get3A_785 = arith.constant 0 : index
    %get3A_786 = vector.load %arg3[%get3A_783, %get3A_784, %get3A_785] : memref<1x1x2048xf32, #tpu.memory_space<vmem>>, vector<1x1x2048xf32>
    %get3A_787 = vector.shape_cast %get3A_786 : vector<1x1x2048xf32> to vector<1x2048xf32>
    %gt3A_788 = arith.constant 0.000000e+00 : f32
    %gt3A_789 = vector.broadcast %gt3A_788 : f32 to vector<1x2048xf32>
    %gt3A_790 = arith.cmpf ogt, %concatenate3A, %gt3A_789 : vector<1x2048xf32>
    %gt3A_791 = arith.constant 0.000000e+00 : f32
    %gt3A_792 = vector.broadcast %gt3A_791 : f32 to vector<1x2048xf32>
    %gt3A_793 = arith.cmpf ogt, %get3A_787, %gt3A_792 : vector<1x2048xf32>
    %and3A_794 = arith.andi %gt3A_790, %gt3A_793 : vector<1x2048xi1>
    %jit3A_795 = arith.constant -1.000000e+00 : f32
    %broadcast_in_dim3A_796 = vector.broadcast %jit3A_795 : f32 to vector<1x2048xf32>
    %select_n3A_797 = arith.select %and3A_794, %get3A_787, %broadcast_in_dim3A_796 : vector<1x2048xi1>, vector<1x2048xf32>
    %swap3A = arith.constant 0 : index
    %swap3A_798 = arith.constant 0 : index
    %swap3A_799 = arith.constant 0 : index
    %swap3A_800 = vector.load %arg4[%swap3A, %swap3A_798, %swap3A_799] : memref<1x1x2048xf32, #tpu.memory_space<vmem>>, vector<1x1x2048xf32>
    %swap3A_801 = vector.shape_cast %swap3A_800 : vector<1x1x2048xf32> to vector<1x2048xf32>
    %swap3A_802 = vector.shape_cast %select_n3A_797 : vector<1x2048xf32> to vector<1x1x2048xf32>
    tpu.vector_store %arg4[%swap3A, %swap3A_798, %swap3A_799], %swap3A_802 {strides = array<i32>} : memref<1x1x2048xf32, #tpu.memory_space<vmem>>, vector<1x1x2048xf32>,
    return
  }
  func.func @transform_0(%arg0: i32) -> (i32, i32, i32) {
    %c0_i32 = arith.constant 0 : i32
    %c0_i32_0 = arith.constant 0 : i32
    %c0_i32_1 = arith.constant 0 : i32
    return %arg0, %c0_i32, %c0_i32_0 : i32, i32, i32
  }
  func.func @transform_1(%arg0: i32) -> (i32, i32, i32) {
    %c0_i32 = arith.constant 0 : i32
    %c0_i32_0 = arith.constant 0 : i32
    %c0_i32_1 = arith.constant 0 : i32
    return %arg0, %c0_i32, %c0_i32_0 : i32, i32, i32
  }
  func.func @transform_2(%arg0: i32) -> (i32, i32, i32) {
    %c0_i32 = arith.constant 0 : i32
    %c0_i32_0 = arith.constant 0 : i32
    %c0_i32_1 = arith.constant 0 : i32
    return %arg0, %c0_i32, %c0_i32_0 : i32, i32, i32
  }
  func.func @transform_3(%arg0: i32) -> (i32, i32, i32) {
    %c0_i32 = arith.constant 0 : i32
    %c0_i32_0 = arith.constant 0 : i32
    %c0_i32_1 = arith.constant 0 : i32
    return %arg0, %c0_i32, %c0_i32_0 : i32, i32, i32
  }
}

</mosaic_0001>

<sc_bundles>
// kernel: gather_offload_async_start.1
scs
__scs_entry_jumppad:
0x0: {  	(pc) =	sbr.rel $0x88, $3  }
0x1: {  	(tag) =	ssettag $0x0;
	lr =	simm.s32 $0x1  }
0x2: {  	[smem:$0x3F9F] =	sst lr;
	_ =	strace $0xD0000000  }
0x3: {  	_ = 	snop  }
0x4: {  	_ = 	snop  }
0x5: {  	_ = 	snop  }
0x6: {  	_ = 	snop  }
0x7: {  	_ = 	snop  }
__scs_overlays_trampoline_lowered:
0x8: {  	[smem:$0x3FAE] =	sst s0  }
0x9: {  	[smem:$0x3FAF] =	sst s1  }
0xa: {  	[smem:$0x3FB0] =	sst s2  }
0xb: {  	[smem:$0x3FB1] =	sst s3  }
0xc: {  	[smem:$0x3FB2] =	sst s4  }
0xd: {  	[smem:$0x3FB3] =	sst s5  }
0xe: {  	[smem:$0x3FB4] =	sst s6  }
0xf: {  	[smem:$0x3FB5] =	sst s7  }
0x10: {  	[smem:$0x3FB6] =	sst s8  }
0x11: {  	[smem:$0x3FB7] =	sst s9;
	s0 =	simm.s32 @!p0 $0x0  }
0x12: {  	s1 =	sld [smem:$0x3F9D];
	s0 =	simm.s32 @p0 $0x1  }
0x13: {  	[smem:$0x3FB8] =	sst s0;
	s0 =	simm.s32 @!p1 $0x0  }
0x14: {  	s2 =	sld [smem:$0x3F9C];
	s0 =	simm.s32 @p1 $0x1  }
0x15: {  	[smem:$0x3FB9] =	sst s0;
	s0 =	simm.s32 @!p2 $0x0  }
0x16: {  	s3 =	sld [smem:$0x3FDB];
	s0 =	simm.s32 @p2 $0x1  }
0x17: {  	s4 =	simm.s32 $0x1BF5;
	[smem:$0x3FBB] =	sst s0  }
0x18: {  	s0 =	sld [smem:$0x3F9E];
	_ =	swait.ge [sflag:s4], $0x0  }
0x19: {  	s7 =	sld [smem:$0x3F9F]  }
0x1a: {  	s8 =	sadd.s32 $0xFFFFE003, lr  }
0x1b: {  	s9 =	sadd.s32 $0xFFFFFEF7, lr;
	s5 =	simm.s32 $0xFFFFFFFF;
	p2 =	slt.u32 s8, $0xFFFFF086  }
0x1c: {  	p1 =	slt.u32 s9, $0xF7A;
	s5 =	simm.s32 @!p2 $0x0  }
0x1d: {  	s5 =	simm.s32 @p1 $0x1;
	p0 =	seq.s32 s7, s2  }
0x1e: {  	s7 =	smul.u32 @!p0 $0xF7A, s2;
	p2 =	seq.s32 @!p0 s5, $0x0  }
0x1f: {  	s9 =	smul.u32 $0xF7A, s1;
	s8 =	simm.s32 @!p0 $0x1BF5;
	p2 =	por !p2, p0  }
0x20: {  	[sflag:s8] =	ssyncset.s32 @!p0 $0xFFFFF086;
	s6 =	sadd.s32 @!p0 s3, s7;
	s7 =	simm.s32 @!p0 $0x108  }
0x21: {  	s3 =	sadd.s32 s3, s9;
	s6 =	sadd.s32 @!p0 $0x88, s6;
	s7 =	simm.s32 @p2 $0x1082  }
0x22: {  	[simem:s7], [sflag:s8] =	dma.local @!p0 [hbm:s6], $0xF7A  }
0x23: {  	s9 =	sor.u32 $0xD0000000, s2;
	s6 =	simm.s32 $0x108;
	_ =	swait.ge @!p0 [sflag:s8], $0x0  }
0x24: {  	s3 =	sadd.s32 $0x88, s3;
	s6 =	simm.s32 @!p1 $0x1082;
	[sflag:s4] =	ssyncset.s32 $0xFFFFF086  }
0x25: {  	[simem:s6], [sflag:s4] =	dma.local [hbm:s3], $0xF7A  }
0x26: {  	[smem:$0x3F9F] =	sst s1;
	(tag) =	ssettag s2;
	_ =	strace s9  }
0x27: {  	s1 =	sld [smem:$0x3FAF]  }
0x28: {  	s2 =	sld [smem:$0x3FB0]  }
0x29: {  	s4 =	sld [smem:$0x3FB2]  }
0x2a: {  	p0 =	seq.s32 s5, $0x0;
	s5 =	sld [smem:$0x3FB3]  }
0x2b: {  	s6 =	sld [smem:$0x3FB4]  }
0x2c: {  	s7 =	sld [smem:$0x3FB5]  }
0x2d: {  	s3 =	simm.s32 $0x108;
	s8 =	sld [smem:$0x3FB6]  }
0x2e: {  	s3 =	simm.s32 @!p0 $0x1082;
	s9 =	sld [smem:$0x3FB7]  }
0x2f: {  	lr =	sadd.s32 s0, s3;
	s0 =	sld [smem:$0x3FAE]  }
0x30: {  	s3 =	sld [smem:$0x3FB1]  }
0x31: {  	[smem:$0x3FBA] =	sst s10  }
0x32: {  	s10 =	sld [smem:$0x3FB8];
	_ =	sdelay $0x3  }
0x33: {  	p0 =	seq.s32 s10, $0x1;
	s10 =	sld [smem:$0x3FBA];
	_ =	sdelay $0x3  }
0x34: {  	[smem:$0x3FBA] =	sst s10  }
0x35: {  	s10 =	sld [smem:$0x3FB9];
	_ =	sdelay $0x3  }
0x36: {  	p1 =	seq.s32 s10, $0x1;
	s10 =	sld [smem:$0x3FBA];
	_ =	sdelay $0x3  }
0x37: {  	[smem:$0x3FBA] =	sst s10  }
0x38: {  	s10 =	sld [smem:$0x3FBB]  }
0x39: {  	_ = 	snop;
	(pc) =	sbr.ind lr, $3  }
0x3a: {  	_ = 	snop  }
0x3b: {  	_ = 	snop  }
0x3c: {  	p2 =	seq.s32 s10, $0x1;
	s10 =	sld [smem:$0x3FBA]  }
0x3d: {  	_ =	shalt  }
0x3e: {  	_ =	shalt  }
0x3f: {  	_ =	shalt  }
0x40: {  	_ =	shalt  }
0x41: {  	_ =	shalt  }
0x42: {  	_ =	shalt  }
0x43: {  	_ =	shalt  }
0x44: {  	_ =	shalt  }
0x45: {  	_ =	shalt  }
0x46: {  	_ =	shalt  }
0x47: {  	_ =	shalt  }
0x48: {  	_ =	shalt  }
0x49: {  	_ =	shalt  }
0x4a: {  	_ =	shalt  }
0x4b: {  	_ =	shalt  }
0x4c: {  	_ =	shalt  }
0x4d: {  	_ =	shalt  }
0x4e: {  	_ =	shalt  }
0x4f: {  	_ =	shalt  }
0x50: {  	_ =	shalt  }
0x51: {  	_ =	shalt  }
0x52: {  	_ =	shalt  }
0x53: {  	_ =	shalt  }
0x54: {  	_ =	shalt  }
0x55: {  	_ =	shalt  }
0x56: {  	_ =	shalt  }
0x57: {  	_ =	shalt  }
0x58: {  	_ =	shalt  }
0x59: {  	_ =	shalt  }
0x5a: {  	_ =	shalt  }
0x5b: {  	_ =	shalt  }
0x5c: {  	_ =	shalt  }
0x5d: {  	_ =	shalt  }
0x5e: {  	_ =	shalt  }
0x5f: {  	_ =	shalt  }
0x60: {  	_ =	shalt  }
0x61: {  	_ =	shalt  }
0x62: {  	_ =	shalt  }
0x63: {  	_ =	shalt  }
0x64: {  	_ =	shalt  }
0x65: {  	_ =	shalt  }
0x66: {  	_ =	shalt  }
0x67: {  	_ =	shalt  }
0x68: {  	_ =	shalt  }
0x69: {  	_ =	shalt  }
0x6a: {  	_ =	shalt  }
0x6b: {  	_ =	shalt  }
0x6c: {  	_ =	shalt  }
0x6d: {  	_ =	shalt  }
0x6e: {  	_ =	shalt  }
0x6f: {  	_ =	shalt  }
0x70: {  	_ =	shalt  }
0x71: {  	_ =	shalt  }
0x72: {  	_ =	shalt  }
0x73: {  	_ =	shalt  }
0x74: {  	_ =	shalt  }
0x75: {  	_ =	shalt  }
0x76: {  	_ =	shalt  }
0x77: {  	_ =	shalt  }
0x78: {  	_ =	shalt  }
0x79: {  	_ =	shalt  }
0x7a: {  	_ =	shalt  }
0x7b: {  	_ =	shalt  }
0x7c: {  	_ =	shalt  }
0x7d: {  	_ =	shalt  }
0x7e: {  	_ =	shalt  }
0x7f: {  	_ =	shalt  }
0x80: {  	_ =	shalt  }
0x81: {  	_ =	shalt  }
0x82: {  	_ =	shalt  }
0x83: {  	_ =	shalt  }
0x84: {  	_ =	shalt  }
0x85: {  	_ =	shalt  }
0x86: {  	_ =	shalt  }
0x87: {  	_ =	shalt  }
.Lfunc_end0:
.L_simem_size_0:
called_computation.1_lowered:
.L_overlay_start_0:
0x88: {  	s0 =	sld [smem:$0x3FD9]  }
0x89: {  	s1 =	sld [smem:$0x3FFE];
	_ =	sdelay $0x3  }
0x8a: {  	s0 =	sadd.s32 s1, s0  }
0x8b: {  	[smem:$0x3FC6] =	sst s0  }
0x8c: {  	_ = 	snop  }
0x8d: {  	s0 =	sld [smem:$0x3FD0];
	_ =	sdelay $0x2  }
0x8e: {  	s13 =	simm.s32 $0xA;
	s2 =	simm.s32 $0x10  }
0x8f: {  	[smem:s2], [sflag:s13] =	dma.local [hbm:s0], $0x1  }
0x90: {  	_ =	swait.eq [sflag:s13], $0x1  }
0x91: {  	[sflag:s13] =	ssyncset.done $0x0  }
0x92: {  	[sflag:s13] =	ssyncadd.s32 $0xFFFFFFFF  }
0x93: {  	s14 =	sld [smem:$0x10];
	(tm) =	ssettm $0x1  }
0x94: {  	s15 =	sld [smem:$0x3FFB];
	_ =	sdelay $0x3  }
0x95: {  	_ =	strace s15  }
0x96: {  	s1 =	sld [smem:$0x3FFC];
	_ =	sdelay $0x3  }
0x97: {  	_ =	strace s1  }
0x98: {  	s1 =	sld [smem:$0x3FFD];
	_ =	sdelay $0x3  }
0x99: {  	_ =	strace s1  }
0x9a: {  	_ =	strace $0x8FFFFFFF  }
0x9b: {  	s16 =	sld [smem:$0x3FDB];
	_ =	sdelay $0x1  }
0x9c: {  	s17 =	simm.s32 $_scs_section_size  }
0x9d: {  	s3 =	simm.s32 $_size__tile_overlayer_lowered;
	s4 =	simm.s32 $_tile_overlayer_lowered  }
0x9e: {  	s20 =	simm.s32 $0x1BFF;
	s19 =	sshll.u32 s4, $0x1;
	s1 =	sadd.s32 s17, s16  }
0x9f: {  	s5 =	simm.s32 $0x0;
	s18 =	sshll.u32 s3, $0x1;
	s3 =	sadd.s32 s19, s1  }
0xa0: {  	[timem:s5], [sflag:s20] =	dma.local [hbm:s3], s18  }
0xa1: {  	_ =	swait.ge [sflag:s20], s18  }
0xa2: {  	s2 =	ssub.s32 $0x0, s18;
	[sflag:s20] =	ssyncset.done $0x0  }
0xa3: {  	[sflag:s20] =	ssyncadd.s32 s2;
	_ =	sdelay $0x1  }
0xa4: {  	s21 =	simm.s32 $0x1B8B  }
0xa5: {  	_ =	swait.ge [sflag:s21], $0x1  }
0xa6: {  	[sflag:s21] =	ssyncset.done $0x0  }
0xa7: {  	s23 =	simm.s32 $0x1B8E;
	s22 =	sld [smem:$0x3FFE];
	[sflag:s21] =	ssyncadd.s32 $0xFFFFFFFF  }
0xa8: {  	s24 =	simm.s32 $execute0_lowered;
	[smem:$0x3FD2] =	sst s23  }
0xa9: {  	s3 =	sshll.u32 s24, $0x1;
	_ =	strace $0x8000004C;
	[dreg:$0x1] =	wrdreg $0xFFFFFFFF  }
0xaa: {  	s25 =	simm.s32 $_size_execute0_lowered;
	s1 =	sadd.s32 s1, s3;
	[dreg:$0x0] =	wrdreg $0x0  }
0xab: {  	s3 =	sshll.u32 s25, $0x1;
	[dreg:$0x2] =	wrdreg s1  }
0xac: {  	[dreg:$0x3] =	wrdreg s3  }
0xad: {  	[dreg:$0x4] =	wrdreg $0xC0  }
0xae: {  	_ =	task [dreg:s5], $0x5FFFF  }
0xaf: {  	[dreg:$0x1] =	wrdreg $0xFFFFFFFF  }
0xb0: {  	[dreg:$0x0] =	wrdreg $0x60  }
0xb1: {  	[dreg:$0x2] =	wrdreg s22  }
0xb2: {  	[dreg:$0x3] =	wrdreg s14  }
0xb3: {  	[dreg:$0x4] =	wrdreg $0x9  }
0xb4: {  	_ =	task.clear_ibuf [dreg:s5], $0x5FFFF;
	_ =	strace $0x9000004C  }
0xb5: {  	s26 =	simm.s32 $0x9;
	_ =	strace $0x8000004E  }
0xb6: {  	_ =	swait.ge [sflag:s26], $0x1  }
0xb7: {  	[sflag:s26] =	ssyncadd.s32 $0xFFFFFFFF  }
0xb8: {  	_ =	strace $0x9000004E  }
0xb9: {  	_ =	sfence  }
0xba: {  	s28 =	sld [smem:$0x0];
	_ =	sdelay $0x1  }
0xbb: {  	s29 =	srdreg.scid  }
0xbc: {  	s30 =	sshll.u32 s29, $0xD;
	s31 =	sshrl.u32 s29, $0x2  }
0xbd: {  	s2 =	sand.u32 $0x4000, s30;
	s1 =	sand.u32 $0x1, s29;
	s0 =	sadd.s32 s31, s28  }
0xbe: {  	s1 =	sor.u32 s2, s1;
	s0 =	sshll.u32 s0, $0x11  }
0xbf: {  	s0 =	sor.u32 s0, s1  }
0xc0: {  	s0 =	sadd.s32 $0x8F2B, s0  }
0xc1: {  	[sflag:s0] =	ssyncadd.remote.s32 $0x1  }
0xc2: {  	_ =	sfence.sel $0xFFFF  }
0xc3: {  	[dreg:$0x0] =	wrdreg $0xFFFFFFFF;
	(pc) =	sbr.abs _section_cstart, $3  }
0xc4: {  	[dreg:$0x1] =	wrdreg $0xFFFFFFFF  }
0xc5: {  	_ =	task.clear_ibuf [dreg:s5], $0x2FFFF;
	_ =	strace $0x9FFFFFFF  }
0xc6: {  	(tm) =	ssettm $0x7FFFFFFF  }
0xc7: {  	_ =	shalt  }
tec
execute0_lowered:
.L_overlay_start_1:
0x0: {  	(tag) =	ssettag $0x1  }
0x1: {  	s0 =	stileid.u32  }
0x2: {  	s1 =	smin.u32 s0, $0x9  }
0x3: {  	s1 =	sadd.s32 s0, s1  }
0x4: {  	s2 =	simm.s32 $0xA0;
	p0 =	slt.u32 s0, $0x9;
	s1 =	smul.u32 $0x50, s1  }
0x5: {  	s2 =	simm.s32 @!p0 $0x50  }
0x6: {  	s2 =	sadd.s32 s2, s1  }
0x7: {  	s3 =	smin.u32 s2, $0x7D0  }
0x8: {  	s7 =	ssub.s32 s3, s1  }
0x9: {  	p0 =	sgt.s32 s7, $0x0  }
0xa: {  	s7 =	simm.s32 @!p0 $0x0  }
0xb: {  	s9 =	rddreg [dreg:$0x0];
	s31 =	smul.u32 $0xCCCD, s7  }
0xc: {  	s4 =	rddreg [dreg:$0x1];
	s6 =	simm.s32 $0x1  }
0xd: {  	s11 =	simm.s32 $0x3;
	s13 =	simm.s32 $0x0;
	s8 =	sshrl.u32 s31, $0x16  }
0xe: {  	s12 =	simm.s32 $0x0;
	s5 =	sadd.s32 $0x400, s9;
	s10 =	smul.u32 $0x50, s8  }
.Ltmp0:
0xf: {  	s9 =	sadd.s32 $0x20400, s9;
	s2 =	rddreg [dreg:$0x2];
	(pc) =	sbr.rel .LBB2_1-.Ltmp0, $4  }
0x10: {  	_ =	strace $0x8000004D;
	p0 =	sne.s32 s7, s10;
	s10 =	simm.s32 $0x1  }
0x11: {  	[sflag:s6] =	ssyncpa.u1 $0x0;
	s7 =	simm.s32 $0x2;
	s10 =	simm.s32 @!p0 $0x0  }
0x12: {  	[sflag:s7] =	ssyncpa.u1 $0x0;
	p0 =	por $0x0, $0x0;
	s8 =	sadd.s32 s8, s10  }
0x13: {  	vm0 =	vmmov $0xff;
	vm1 =	vcmask $0x3F20;
	[sflag:s11] =	ssyncpa.u1 $0x0;
	s11 =	smov.u32 s1;
	s10 =	sadd.s32 $0x1, s8  }
.LBB2_6:
0x14: {  	[hbm:s17] =	stream.linear.scatter [tilespmem:s14], [sflag:$0x3], $0x400, $0x38;
	[tilespmem:$0x50A0] =	vst v63  }
.LBB2_7:
0x15: {  	s13 =	sadd.s32 $0x50, s11  }
0x16: {  	s15 =	smov.u32 s1;
	p2 =	slt.s32 s13, s3  }
0x17: {  	s15 =	smov.u32 @p2 s13;
	p2 =	sne.s32 s12, s10  }
.Ltmp1:
0x18: {  	p1 =	slt.u32 s12, $0x2;
	(pc) =	sbr.rel @!p2 .LBB2_8-.Ltmp1, $4  }
0x19: {  	s14 =	simm.s32 @!p1 $0x3  }
0x1a: {  	s16 =	sadd.s32 $0x1, s12;
	_ =	swait.ge @!p1 [sflag:s14], $0x2800  }
0x1b: {  	p0 =	por !p0, !p0;
	s13 =	smov.u32 s11;
	[sflag:s14] =	ssyncset.done @!p1 $0x0  }
0x1c: {  	s12 =	smov.u32 s16;
	s11 =	smov.u32 s15;
	[sflag:s14] =	ssyncadd.s32 @!p1 $0xFFFFD800  }
.LBB2_1:
0x1d: {  	p1 =	sge.u32 s12, s8  }
0x1e: {  	s14 =	sxor.u32 @!p1 $0xFFFFFFFF, s12  }
0x1f: {  	s14 =	sand.u32 @!p1 $0x1, s14  }
0x20: {  	s14 =	smul.u32 @!p1 $0x140, s14  }
0x21: {  	s31 =	sadd.s32 $0xFFFFFFFF, s12;
	s15 =	sshrl.u32 @!p1 s11, $0x3  }
0x22: {  	s16 =	sand.u32 @!p1 $0x7, s11;
	s15 =	sadd.s32 @!p1 s4, s15;
	s14 =	sshrl.u32 @!p1 s14, $0x2  }
0x23: {  	[tilespmem:s14], [sflag:$0x2] =	stream.linear.gather @!p1 [hbm4b:s15+s16], $0x50, $0x38;
	[tilespmem:$0x50A0] =	vst v63  }
0x24: {  	p1 =	sge.u32 s31, s8  }
.Ltmp2:
0x25: {  	_ = 	snop;
	(pc) =	sbr.rel @p1 .LBB2_7-.Ltmp2, $1  }
0x26: {  	_ =	sdelay $0x3  }
0x27: {  	s14 =	simm.s32 $0x1  }
0x28: {  	s14 =	simm.s32 @!p0 $0x0  }
0x29: {  	s15 =	smul.u32 $0x140, s14  }
0x2a: {  	_ =	swait.ge [sflag:s7], $0x50  }
0x2b: {  	[sflag:s7] =	ssyncset.done $0x0;
	s16 =	sshrl.u32 s15, $0x2  }
0x2c: {  	[sflag:s7] =	ssyncadd.s32 $0xFFFFFFB0;
	s15 =	sadd.s32 $0x0, s16  }
0x2d: {  	v0 =	vld.msk [tilespmem:s15+$0x0 ss:$0x1], $0xffff;
	_ =	sdelay $0x4  }
0x2e: {  	v1 =	vshll.u32 v0, $0x5  }
0x2f: {  	vm2 =	veq.s32 v0, $0x80000000;
	v0 =	vshll.u32 v0, $0x12;
	v1 =	vand.u32 $0x3FF80, v1  }
0x30: {  	v0 =	vand.u32 $0xC0000, v0;
	v1 =	vsel vm2, $0xFFFFFF80, v1  }
0x31: {  	v0 =	vsel vm2, $0xFFFC0000, v0;
	v2 =	vand.u32 $0xFFFFFC00, v1  }
0x32: {  	v1 =	vand.u32 $0x380, v1;
	v0 =	vadd.s32 v0, v2  }
0x33: {  	v0 =	vor.u32 v1, v0  }
0x34: {  	v0 =	vshrl.u32 v0, $0x3  }
0x35: {  	s14 =	smul.u32 $0xA000, s14;
	_ =	sdelay $0x1  }
0x36: {  	s14 =	sshrl.u32 s14, $0x2  }
0x37: {  	s14 =	sor.u32 $0xA0, s14  }
0x38: {  	[tilespmem:s14], [sflag:$0x1] =	stream.indirect_vreg.gather [hbm:s5], $0x80, v0, vm0, $0x38;
	[tilespmem:$0x50A0] =	vst v63  }
0x39: {  	s17 =	sadd.s32 $0x10, s16;
	s15 =	sadd.s32 $0x400, s14  }
0x3a: {  	[tilespmem:s15], [sflag:$0x1] =	stream.indirect_vreg.gather [hbm:s5], $0x80, v0, vm1, $0x38;
	[tilespmem:$0x50A0] =	vst v63  }
0x3b: {  	s18 =	simm.s32 $0x80;
	v0 =	vld.msk [tilespmem:s17+$0x0 ss:$0x1], $0xffff;
	s17 =	smov.u32 s14  }
.LBB2_3:
0x3c: {  	p1 =	sne.s32 s18, $0x100;
	_ =	sdelay $0x4  }
0x3d: {  	v1 =	vshll.u32 v0, $0x5  }
0x3e: {  	vm2 =	veq.s32 v0, $0x80000000;
	v0 =	vshll.u32 v0, $0x12;
	v1 =	vand.u32 $0x3FF80, v1  }
0x3f: {  	v0 =	vand.u32 $0xC0000, v0;
	v1 =	vsel vm2, $0xFFFFFF80, v1  }
0x40: {  	v0 =	vsel vm2, $0xFFFC0000, v0;
	v2 =	vand.u32 $0xFFFFFC00, v1  }
0x41: {  	v1 =	vand.u32 $0x380, v1;
	v0 =	vadd.s32 v0, v2  }
0x42: {  	v0 =	vor.u32 v1, v0  }
0x43: {  	v0 =	vshrl.u32 v0, $0x3;
	_ =	sdelay $0x3  }
.Ltmp3:
0x44: {  	s19 =	sshra.s32 s18, $0x2;
	s17 =	sadd.s32 $0x800, s17;
	(pc) =	sbr.rel @p1 .LBB2_3-.Ltmp3, $4  }
0x45: {  	[tilespmem:s17], [sflag:$0x1] =	stream.indirect_vreg.gather [hbm:s5], $0x80, v0, vm0, $0x38;
	[tilespmem:$0x50A0] =	vst v63  }
0x46: {  	s19 =	sadd.s32 s19, s16;
	s20 =	sadd.s32 $0x400, s17  }
0x47: {  	[tilespmem:s20], [sflag:$0x1] =	stream.indirect_vreg.gather [hbm:s5], $0x80, v0, vm1, $0x38;
	[tilespmem:$0x50A0] =	vst v63  }
0x48: {  	s18 =	sadd.s32 $0x40, s18;
	v0 =	vld.msk [tilespmem:s19+$0x0 ss:$0x1], $0xffff  }
0x49: {  	_ =	sdelay $0x3  }
0x4a: {  	v1 =	vshll.u32 v0, $0x5  }
0x4b: {  	vm2 =	veq.s32 v0, $0x80000000;
	v63 =	vshll.u32 v0, $0x12;
	v1 =	vand.u32 $0x3FF80, v1  }
0x4c: {  	v0 =	vand.u32 $0xC0000, v63;
	v1 =	vsel vm2, $0xFFFFFF80, v1  }
0x4d: {  	v0 =	vsel vm2, $0xFFFC0000, v0;
	v2 =	vand.u32 $0xFFFFFC00, v1  }
0x4e: {  	v1 =	vand.u32 $0x380, v1;
	v0 =	vadd.s32 v0, v2  }
0x4f: {  	v0 =	vor.u32 v1, v0  }
0x50: {  	v0 =	vshrl.u32 v0, $0x3;
	_ =	sdelay $0x3  }
0x51: {  	s16 =	sadd.s32 $0x800, s17  }
0x52: {  	[tilespmem:s16], [sflag:$0x1] =	stream.indirect_vreg.gather [hbm:s5], $0x80, v0, vm0, $0x38;
	[tilespmem:$0x50A0] =	vst v63  }
0x53: {  	s16 =	sadd.s32 $0x400, s16  }
0x54: {  	[tilespmem:s16], [sflag:$0x1] =	stream.indirect_vreg.gather [hbm:s5], $0x80, v0, vm1, $0x38;
	[tilespmem:$0x50A0] =	vst v63  }
0x55: {  	s13 =	sshll.u32 s13, $0x4;
	_ =	swait.ge [sflag:s6], $0x2800  }
0x56: {  	s13 =	sadd.s32 s13, s9;
	[sflag:s6] =	ssyncset.done $0x0  }
0x57: {  	s17 =	sadd.s32 $0x0, s13;
	s16 =	simm.s32 $0x80;
	[sflag:s6] =	ssyncadd.s32 $0xFFFFD800  }
.LBB2_5:
0x58: {  	[hbm:s17] =	stream.linear.scatter [tilespmem:s14], [sflag:$0x3], $0x400, $0x38;
	[tilespmem:$0x50A0] =	vst v63  }
0x59: {  	s17 =	smov.u32 s16;
	s14 =	smov.u32 s15;
	p1 =	sne.s32 s16, $0x480  }
.Ltmp4:
0x5a: {  	s16 =	sadd.s32 $0x80, s16;
	(pc) =	sbr.rel @p1 .LBB2_5-.Ltmp4, $2  }
0x5b: {  	_ =	sdelay $0x2  }
0x5c: {  	s15 =	sadd.s32 $0x400, s15;
	s17 =	sadd.s32 s17, s13  }
.Ltmp5:
0x5d: {  	_ = 	snop;
	(pc) =	sbr.rel .LBB2_6-.Ltmp5, $1  }
0x5e: {  	_ =	sdelay $0x3  }
.LBB2_8:
0x5f: {  	_ =	sfence.sel $0x180000  }
0x60: {  	s1 =	simm.s32 $0x2;
	[bflag:$0x0] =	sbarrier.arrive $0xFFFF  }
0x61: {  	s30 =	simm.s32 $0x3;
	[sflag:s1] =	ssyncpa.u1 $0x1  }
0x62: {  	s31 =	simm.s32 $0x1;
	[sflag:s30] =	ssyncpa.u1 $0x1  }
0x63: {  	[sflag:s31] =	ssyncpa.u1 $0x1  }
0x64: {  	p0 =	sne.s32 s0, $0x0;
	_ =	strace $0x9000004D  }
0x65: {  	s0 =	sadd.s32 @!p0 $0x100000, s2;
	[bflag:$0x2] =	sbarrier.arrive $0xFFFF  }
0x66: {  	[sflag:s0] =	ssyncadd.tile.s32 @!p0 $0x1;
	_ =	shalt  }
.Lfunc_end2:
_tile_overlayer_lowered:
.L_overlay_start_2:
0x67: {  	(tag) =	ssettag $0x2  }
0x68: {  	s0 =	rddreg [dreg:$0x0];
	s2 =	stileid.u32  }
0x69: {  	s1 =	rddreg [dreg:$0x1];
	p0 =	sne.s32 s2, $0x0  }
0x6a: {  	s3 =	rddreg [dreg:$0x2];
	[bflag:$0x3] =	sbarrier.arrive $0xFFFF;
	s2 =	simm.s32 @!p0 $0x1C01  }
0x6b: {  	[timem:s3], [sflag:s2] =	dma.local @!p0 [hbm:s0], s1  }
0x6c: {  	s0 =	simm.s32 @!p0 $0x1  }
0x6d: {  	_ =	swait.ge @!p0 [sflag:s0], s1  }
0x6e: {  	s1 =	ssub.s32 @!p0 $0x0, s1;
	[sflag:s0] =	ssyncset.done @!p0 $0x0  }
0x6f: {  	[sflag:s0] =	ssyncadd.s32 @!p0 s1  }
0x70: {  	[bflag:$0x3] =	sbarrier.arrive $0xFFFF  }
0x71: {  	_ =	shalt  }

// kernel: gather_offload_async_start.2
scs
__scs_entry_jumppad:
0x0: {  	(pc) =	sbr.rel $0x88, $3  }
0x1: {  	(tag) =	ssettag $0x0;
	lr =	simm.s32 $0x1  }
0x2: {  	[smem:$0x3F9F] =	sst lr;
	_ =	strace $0xD0000000  }
0x3: {  	_ = 	snop  }
0x4: {  	_ = 	snop  }
0x5: {  	_ = 	snop  }
0x6: {  	_ = 	snop  }
0x7: {  	_ = 	snop  }
__scs_overlays_trampoline_lowered:
0x8: {  	[smem:$0x3FAE] =	sst s0  }
0x9: {  	[smem:$0x3FAF] =	sst s1  }
0xa: {  	[smem:$0x3FB0] =	sst s2  }
0xb: {  	[smem:$0x3FB1] =	sst s3  }
0xc: {  	[smem:$0x3FB2] =	sst s4  }
0xd: {  	[smem:$0x3FB3] =	sst s5  }
0xe: {  	[smem:$0x3FB4] =	sst s6  }
0xf: {  	[smem:$0x3FB5] =	sst s7  }
0x10: {  	[smem:$0x3FB6] =	sst s8  }
0x11: {  	[smem:$0x3FB7] =	sst s9;
	s0 =	simm.s32 @!p0 $0x0  }
0x12: {  	s1 =	sld [smem:$0x3F9D];
	s0 =	simm.s32 @p0 $0x1  }
0x13: {  	[smem:$0x3FB8] =	sst s0;
	s0 =	simm.s32 @!p1 $0x0  }
0x14: {  	s2 =	sld [smem:$0x3F9C];
	s0 =	simm.s32 @p1 $0x1  }
0x15: {  	[smem:$0x3FB9] =	sst s0;
	s0 =	simm.s32 @!p2 $0x0  }
0x16: {  	s3 =	sld [smem:$0x3FDB];
	s0 =	simm.s32 @p2 $0x1  }
0x17: {  	s4 =	simm.s32 $0x1BF5;
	[smem:$0x3FBB] =	sst s0  }
0x18: {  	s0 =	sld [smem:$0x3F9E];
	_ =	swait.ge [sflag:s4], $0x0  }
0x19: {  	s7 =	sld [smem:$0x3F9F]  }
0x1a: {  	s8 =	sadd.s32 $0xFFFFE003, lr  }
0x1b: {  	s9 =	sadd.s32 $0xFFFFFEF7, lr;
	s5 =	simm.s32 $0xFFFFFFFF;
	p2 =	slt.u32 s8, $0xFFFFF086  }
0x1c: {  	p1 =	slt.u32 s9, $0xF7A;
	s5 =	simm.s32 @!p2 $0x0  }
0x1d: {  	s5 =	simm.s32 @p1 $0x1;
	p0 =	seq.s32 s7, s2  }
0x1e: {  	s7 =	smul.u32 @!p0 $0xF7A, s2;
	p2 =	seq.s32 @!p0 s5, $0x0  }
0x1f: {  	s9 =	smul.u32 $0xF7A, s1;
	s8 =	simm.s32 @!p0 $0x1BF5;
	p2 =	por !p2, p0  }
0x20: {  	[sflag:s8] =	ssyncset.s32 @!p0 $0xFFFFF086;
	s6 =	sadd.s32 @!p0 s3, s7;
	s7 =	simm.s32 @!p0 $0x108  }
0x21: {  	s3 =	sadd.s32 s3, s9;
	s6 =	sadd.s32 @!p0 $0x88, s6;
	s7 =	simm.s32 @p2 $0x1082  }
0x22: {  	[simem:s7], [sflag:s8] =	dma.local @!p0 [hbm:s6], $0xF7A  }
0x23: {  	s9 =	sor.u32 $0xD0000000, s2;
	s6 =	simm.s32 $0x108;
	_ =	swait.ge @!p0 [sflag:s8], $0x0  }
0x24: {  	s3 =	sadd.s32 $0x88, s3;
	s6 =	simm.s32 @!p1 $0x1082;
	[sflag:s4] =	ssyncset.s32 $0xFFFFF086  }
0x25: {  	[simem:s6], [sflag:s4] =	dma.local [hbm:s3], $0xF7A  }
0x26: {  	[smem:$0x3F9F] =	sst s1;
	(tag) =	ssettag s2;
	_ =	strace s9  }
0x27: {  	s1 =	sld [smem:$0x3FAF]  }
0x28: {  	s2 =	sld [smem:$0x3FB0]  }
0x29: {  	s4 =	sld [smem:$0x3FB2]  }
0x2a: {  	p0 =	seq.s32 s5, $0x0;
	s5 =	sld [smem:$0x3FB3]  }
0x2b: {  	s6 =	sld [smem:$0x3FB4]  }
0x2c: {  	s7 =	sld [smem:$0x3FB5]  }
0x2d: {  	s3 =	simm.s32 $0x108;
	s8 =	sld [smem:$0x3FB6]  }
0x2e: {  	s3 =	simm.s32 @!p0 $0x1082;
	s9 =	sld [smem:$0x3FB7]  }
0x2f: {  	lr =	sadd.s32 s0, s3;
	s0 =	sld [smem:$0x3FAE]  }
0x30: {  	s3 =	sld [smem:$0x3FB1]  }
0x31: {  	[smem:$0x3FBA] =	sst s10  }
0x32: {  	s10 =	sld [smem:$0x3FB8];
	_ =	sdelay $0x3  }
0x33: {  	p0 =	seq.s32 s10, $0x1;
	s10 =	sld [smem:$0x3FBA];
	_ =	sdelay $0x3  }
0x34: {  	[smem:$0x3FBA] =	sst s10  }
0x35: {  	s10 =	sld [smem:$0x3FB9];
	_ =	sdelay $0x3  }
0x36: {  	p1 =	seq.s32 s10, $0x1;
	s10 =	sld [smem:$0x3FBA];
	_ =	sdelay $0x3  }
0x37: {  	[smem:$0x3FBA] =	sst s10  }
0x38: {  	s10 =	sld [smem:$0x3FBB]  }
0x39: {  	_ = 	snop;
	(pc) =	sbr.ind lr, $3  }
0x3a: {  	_ = 	snop  }
0x3b: {  	_ = 	snop  }
0x3c: {  	p2 =	seq.s32 s10, $0x1;
	s10 =	sld [smem:$0x3FBA]  }
0x3d: {  	_ =	shalt  }
0x3e: {  	_ =	shalt  }
0x3f: {  	_ =	shalt  }
0x40: {  	_ =	shalt  }
0x41: {  	_ =	shalt  }
0x42: {  	_ =	shalt  }
0x43: {  	_ =	shalt  }
0x44: {  	_ =	shalt  }
0x45: {  	_ =	shalt  }
0x46: {  	_ =	shalt  }
0x47: {  	_ =	shalt  }
0x48: {  	_ =	shalt  }
0x49: {  	_ =	shalt  }
0x4a: {  	_ =	shalt  }
0x4b: {  	_ =	shalt  }
0x4c: {  	_ =	shalt  }
0x4d: {  	_ =	shalt  }
0x4e: {  	_ =	shalt  }
0x4f: {  	_ =	shalt  }
0x50: {  	_ =	shalt  }
0x51: {  	_ =	shalt  }
0x52: {  	_ =	shalt  }
0x53: {  	_ =	shalt  }
0x54: {  	_ =	shalt  }
0x55: {  	_ =	shalt  }
0x56: {  	_ =	shalt  }
0x57: {  	_ =	shalt  }
0x58: {  	_ =	shalt  }
0x59: {  	_ =	shalt  }
0x5a: {  	_ =	shalt  }
0x5b: {  	_ =	shalt  }
0x5c: {  	_ =	shalt  }
0x5d: {  	_ =	shalt  }
0x5e: {  	_ =	shalt  }
0x5f: {  	_ =	shalt  }
0x60: {  	_ =	shalt  }
0x61: {  	_ =	shalt  }
0x62: {  	_ =	shalt  }
0x63: {  	_ =	shalt  }
0x64: {  	_ =	shalt  }
0x65: {  	_ =	shalt  }
0x66: {  	_ =	shalt  }
0x67: {  	_ =	shalt  }
0x68: {  	_ =	shalt  }
0x69: {  	_ =	shalt  }
0x6a: {  	_ =	shalt  }
0x6b: {  	_ =	shalt  }
0x6c: {  	_ =	shalt  }
0x6d: {  	_ =	shalt  }
0x6e: {  	_ =	shalt  }
0x6f: {  	_ =	shalt  }
0x70: {  	_ =	shalt  }
0x71: {  	_ =	shalt  }
0x72: {  	_ =	shalt  }
0x73: {  	_ =	shalt  }
0x74: {  	_ =	shalt  }
0x75: {  	_ =	shalt  }
0x76: {  	_ =	shalt  }
0x77: {  	_ =	shalt  }
0x78: {  	_ =	shalt  }
0x79: {  	_ =	shalt  }
0x7a: {  	_ =	shalt  }
0x7b: {  	_ =	shalt  }
0x7c: {  	_ =	shalt  }
0x7d: {  	_ =	shalt  }
0x7e: {  	_ =	shalt  }
0x7f: {  	_ =	shalt  }
0x80: {  	_ =	shalt  }
0x81: {  	_ =	shalt  }
0x82: {  	_ =	shalt  }
0x83: {  	_ =	shalt  }
0x84: {  	_ =	shalt  }
0x85: {  	_ =	shalt  }
0x86: {  	_ =	shalt  }
0x87: {  	_ =	shalt  }
.Lfunc_end0:
.L_simem_size_0:
called_computation.2_lowered:
.L_overlay_start_0:
0x88: {  	s2 =	sld [smem:$0x3FD9]  }
0x89: {  	s3 =	sld [smem:$0x3FFE];
	_ =	sdelay $0x1  }
0x8a: {  	s1 =	srdreg.scid  }
0x8b: {  	s0 =	sand.u32 $0x1, s1  }
0x8c: {  	s14 =	sshll.u32 s0, $0xA;
	s2 =	sadd.s32 s3, s2  }
0x8d: {  	s2 =	sadd.s32 s2, s14  }
0x8e: {  	[smem:$0x3FC6] =	sst s2  }
0x8f: {  	_ = 	snop  }
0x90: {  	s2 =	sld [smem:$0x3FD0];
	_ =	sdelay $0x2  }
0x91: {  	s15 =	simm.s32 $0xA;
	s4 =	simm.s32 $0x10  }
0x92: {  	[smem:s4], [sflag:s15] =	dma.local [hbm:s2], $0x1  }
0x93: {  	_ =	swait.eq [sflag:s15], $0x1  }
0x94: {  	[sflag:s15] =	ssyncset.done $0x0  }
0x95: {  	[sflag:s15] =	ssyncadd.s32 $0xFFFFFFFF  }
0x96: {  	s16 =	sld [smem:$0x10];
	(tm) =	ssettm $0x1  }
0x97: {  	s17 =	sld [smem:$0x3FFB];
	_ =	sdelay $0x3  }
0x98: {  	_ =	strace s17  }
0x99: {  	s3 =	sld [smem:$0x3FFC];
	_ =	sdelay $0x3  }
0x9a: {  	_ =	strace s3  }
0x9b: {  	s3 =	sld [smem:$0x3FFD];
	_ =	sdelay $0x3  }
0x9c: {  	_ =	strace s3  }
0x9d: {  	_ =	strace $0x8FFFFFFF  }
0x9e: {  	s18 =	sld [smem:$0x3FDB];
	_ =	sdelay $0x1  }
0x9f: {  	s19 =	simm.s32 $_scs_section_size  }
0xa0: {  	s5 =	simm.s32 $_size__tile_overlayer_lowered;
	s6 =	simm.s32 $_tile_overlayer_lowered  }
0xa1: {  	s22 =	simm.s32 $0x1BFF;
	s21 =	sshll.u32 s6, $0x1;
	s3 =	sadd.s32 s19, s18  }
0xa2: {  	s7 =	simm.s32 $0x0;
	s20 =	sshll.u32 s5, $0x1;
	s5 =	sadd.s32 s21, s3  }
0xa3: {  	[timem:s7], [sflag:s22] =	dma.local [hbm:s5], s20  }
0xa4: {  	_ =	swait.ge [sflag:s22], s20  }
0xa5: {  	s4 =	ssub.s32 $0x0, s20;
	[sflag:s22] =	ssyncset.done $0x0  }
0xa6: {  	[sflag:s22] =	ssyncadd.s32 s4;
	_ =	sdelay $0x1  }
0xa7: {  	s23 =	simm.s32 $0x1B8B  }
0xa8: {  	_ =	swait.ge [sflag:s23], $0x1  }
0xa9: {  	[sflag:s23] =	ssyncset.done $0x0  }
0xaa: {  	s25 =	simm.s32 $0x1B8E;
	s24 =	sld [smem:$0x3FFE];
	[sflag:s23] =	ssyncadd.s32 $0xFFFFFFFF  }
0xab: {  	s26 =	simm.s32 $execute0_lowered;
	[smem:$0x3FD2] =	sst s25  }
0xac: {  	s5 =	sshll.u32 s26, $0x1;
	_ =	strace $0x80000046;
	[dreg:$0x1] =	wrdreg $0xFFFFFFFF  }
0xad: {  	s28 =	simm.s32 $_size_execute0_lowered;
	s3 =	sadd.s32 s3, s5;
	[dreg:$0x0] =	wrdreg $0x0  }
0xae: {  	s5 =	sshll.u32 s28, $0x1;
	[dreg:$0x2] =	wrdreg s3  }
0xaf: {  	[dreg:$0x3] =	wrdreg s5  }
0xb0: {  	[dreg:$0x4] =	wrdreg $0xC0  }
0xb1: {  	_ =	task [dreg:s7], $0x5FFFF  }
0xb2: {  	[dreg:$0x1] =	wrdreg $0xFFFFFFFF  }
0xb3: {  	[dreg:$0x0] =	wrdreg $0x60  }
0xb4: {  	[dreg:$0x2] =	wrdreg s24  }
0xb5: {  	[dreg:$0x3] =	wrdreg s16  }
0xb6: {  	[dreg:$0x4] =	wrdreg $0x9  }
0xb7: {  	_ =	task.clear_ibuf [dreg:s7], $0x5FFFF;
	_ =	strace $0x90000046  }
0xb8: {  	s29 =	simm.s32 $0x9;
	_ =	strace $0x80000048  }
0xb9: {  	_ =	swait.ge [sflag:s29], $0x1  }
0xba: {  	[sflag:s29] =	ssyncadd.s32 $0xFFFFFFFF  }
0xbb: {  	_ =	strace $0x90000048  }
0xbc: {  	_ =	sfence  }
0xbd: {  	s30 =	sld [smem:$0x0];
	_ =	sdelay $0x2  }
0xbe: {  	s31 =	sshll.u32 s1, $0xD;
	s1 =	sshrl.u32 s1, $0x2  }
0xbf: {  	s3 =	sand.u32 $0x4000, s31;
	s1 =	sadd.s32 s1, s30  }
0xc0: {  	s0 =	sor.u32 s3, s0;
	s1 =	sshll.u32 s1, $0x11  }
0xc1: {  	s0 =	sor.u32 s1, s0  }
0xc2: {  	s0 =	sadd.s32 $0x8F2B, s0  }
0xc3: {  	[sflag:s0] =	ssyncadd.remote.s32 $0x1  }
0xc4: {  	_ =	sfence.sel $0xFFFF  }
0xc5: {  	[dreg:$0x0] =	wrdreg $0xFFFFFFFF;
	(pc) =	sbr.abs _section_cstart, $3  }
0xc6: {  	[dreg:$0x1] =	wrdreg $0xFFFFFFFF  }
0xc7: {  	_ =	task.clear_ibuf [dreg:s7], $0x2FFFF;
	_ =	strace $0x9FFFFFFF  }
0xc8: {  	(tm) =	ssettm $0x7FFFFFFF  }
0xc9: {  	_ =	shalt  }
tec
execute0_lowered:
.L_overlay_start_1:
0x0: {  	(tag) =	ssettag $0x1  }
0x1: {  	s1 =	srdreg.scid;
	s2 =	rddreg [dreg:$0x0]  }
0x2: {  	s0 =	stileid.u32;
	s3 =	rddreg [dreg:$0x1]  }
0x3: {  	s6 =	simm.s32 $0x1;
	s9 =	simm.s32 $0x1;
	s1 =	sshll.u32 s1, $0x7  }
0x4: {  	s10 =	simm.s32 $0x3;
	s4 =	sshll.u32 s0, $0x8;
	s5 =	sand.u32 $0x80, s1  }
0x5: {  	s13 =	simm.s32 $0x0;
	s12 =	simm.s32 $0x0;
	s4 =	sor.u32 s4, s5  }
0x6: {  	s1 =	rddreg [dreg:$0x2];
	_ =	strace $0x80000047;
	s8 =	ssub.s32 $0x2000, s4  }
.Ltmp0:
0x7: {  	s5 =	sadd.s32 $0x2800, s2;
	s7 =	sand.u32 $0xF80, s8;
	(pc) =	sbr.rel .LBB2_1-.Ltmp0, $4  }
0x8: {  	[sflag:s6] =	ssyncpa.u1 $0x0;
	s11 =	smov.u32 s4;
	p0 =	sne.s32 s7, $0x0  }
0x9: {  	s8 =	sshrl.u32 s8, $0xC;
	s7 =	simm.s32 $0x2;
	s9 =	simm.s32 @!p0 $0x0  }
0xa: {  	[sflag:s7] =	ssyncpa.u1 $0x0;
	p0 =	por $0x0, $0x0;
	s8 =	sadd.s32 s9, s8  }
0xb: {  	vm0 =	vmmov $0xffff;
	[sflag:s10] =	ssyncpa.u1 $0x0;
	s10 =	simm.s32 $0x0;
	s9 =	sadd.s32 $0x1, s8  }
.LBB2_4:
0xc: {  	vm1 =	veq.s32 v4, $0x80000000;
	v56 =	vand.u32 $0x3, v4;
	v6 =	vand.u32 $0x7FFF, v6  }
0xd: {  	v2 =	vor.u32 v2, v5;
	v59 =	vshrl.u32 v1, $0x2;
	v60 =	vand.u32 $0x3, v1  }
0xe: {  	v4 =	vsel vm1, $0xFFFFFFFF, v56;
	v6 =	vsel vm1, $0xFFFFFFFF, v6;
	v2 =	vor.u32 v3, v2  }
0xf: {  	vm1 =	veq.s32 v1, $0x80000000;
	v5 =	vand.u32 $0x7FFF, v59;
	v7 =	vshrl.u32 v4, $0x2  }
0x10: {  	v57 =	vshll.u32 v6, $0x2;
	v4 =	vshll.u32 v4, $0x7;
	v1 =	vsel vm1, $0xFFFFFFFF, v60  }
0x11: {  	v5 =	vsel vm1, $0xFFFFFFFF, v5;
	v6 =	vand.u32 $0x7F, v6;
	v7 =	vmul.u32 $0x13A00, v7  }
0x12: {  	v58 =	vand.u32 $0xFFFFFE00, v57;
	v4 =	vand.u32 $0x180, v4;
	v61 =	vshrl.u32 v1, $0x2  }
0x13: {  	v62 =	vshll.u32 v5, $0x2;
	v3 =	vadd.s32 v7, v58;
	v7 =	vmul.u32 $0x13A00, v61  }
0x14: {  	v1 =	vshll.u32 v1, $0x7;
	v3 =	vor.u32 v4, v3;
	v4 =	vand.u32 $0xFFFFFE00, v62  }
0x15: {  	v1 =	vand.u32 $0x180, v1;
	v3 =	vor.u32 v6, v3;
	v4 =	vadd.s32 v7, v4  }
0x16: {  	[tilespmem:s16], [sflag:$0x1] =	stream.indirect_vreg.gather [hbm4b:s2+s10], $0x1, v0, vm0, $0x4038;
	v63 =	vand.u32 $0x7F, v5;
	v1 =	vor.u32 v1, v4;
	[tilespmem:$0x200] =	vst v63  }
0x17: {  	s15 =	sadd.s32 $0x10, s15;
	(ifvalue) =	ssetifvalue $0x7FFFFFFF;
	v0 =	vor.u32 v63, v1  }
0x18: {  	[tilespmem:s15], [sflag:$0x1] =	stream.indirect_vreg.gather [hbm4b:s2+s10], $0x1, v2, vm0, $0x4038;
	[tilespmem:$0x200] =	vst v63  }
0x19: {  	s15 =	sadd.s32 $0x10, s15;
	(ifvalue) =	ssetifvalue $0x7FFFFFFF  }
0x1a: {  	[tilespmem:s15], [sflag:$0x1] =	stream.indirect_vreg.gather [hbm4b:s2+s10], $0x1, v3, vm0, $0x4038;
	[tilespmem:$0x200] =	vst v63  }
0x1b: {  	s15 =	sadd.s32 $0x10, s15;
	(ifvalue) =	ssetifvalue $0x7FFFFFFF  }
0x1c: {  	[tilespmem:s15], [sflag:$0x1] =	stream.indirect_vreg.gather [hbm4b:s2+s10], $0x1, v0, vm0, $0x4038;
	[tilespmem:$0x200] =	vst v63  }
0x1d: {  	_ =	swait.ge [sflag:s6], $0x80  }
0x1e: {  	s30 =	sshrl.u32 s13, $0x3;
	[sflag:s6] =	ssyncset.done $0x0  }
0x1f: {  	s31 =	sand.u32 $0x7, s13;
	s15 =	sadd.s32 s5, s30;
	[sflag:s6] =	ssyncadd.s32 $0xFFFFFF80  }
0x20: {  	[hbm4b:s15+s31] =	stream.linear.scatter [tilespmem:s14], [sflag:$0x3], $0x80, $0x38;
	[tilespmem:$0x200] =	vst v63  }
.LBB2_5:
0x21: {  	s15 =	sadd.s32 $0x1000, s11  }
0x22: {  	p2 =	sgt.s32 s15, $0x1FFF  }
0x23: {  	s15 =	smov.u32 @p2 s4;
	p2 =	sne.s32 s12, s9  }
.Ltmp1:
0x24: {  	p1 =	slt.u32 s12, $0x2;
	(pc) =	sbr.rel @!p2 .LBB2_6-.Ltmp1, $4  }
0x25: {  	s14 =	simm.s32 @!p1 $0x3  }
0x26: {  	s16 =	sadd.s32 $0x1, s12;
	_ =	swait.ge @!p1 [sflag:s14], $0x80  }
0x27: {  	s13 =	smov.u32 s11;
	p0 =	por !p0, !p0;
	[sflag:s14] =	ssyncset.done @!p1 $0x0  }
0x28: {  	s12 =	smov.u32 s16;
	s11 =	smov.u32 s15;
	[sflag:s14] =	ssyncadd.s32 @!p1 $0xFFFFFF80  }
.LBB2_1:
0x29: {  	p1 =	sge.u32 s12, s8  }
0x2a: {  	s14 =	sxor.u32 @!p1 $0xFFFFFFFF, s12  }
0x2b: {  	s31 =	sadd.s32 $0xFFFFFFFF, s12;
	s15 =	sshrl.u32 @!p1 s11, $0x3;
	s14 =	sshll.u32 @!p1 s14, $0x7  }
0x2c: {  	s16 =	sand.u32 @!p1 $0x7, s11;
	s15 =	sadd.s32 @!p1 s3, s15;
	s14 =	sand.u32 @!p1 $0x80, s14  }
0x2d: {  	[tilespmem:s14], [sflag:$0x2] =	stream.linear.gather @!p1 [hbm4b:s15+s16], $0x80, $0x38;
	[tilespmem:$0x200] =	vst v63  }
0x2e: {  	p1 =	sge.u32 s31, s8  }
.Ltmp2:
0x2f: {  	_ = 	snop;
	(pc) =	sbr.rel @p1 .LBB2_5-.Ltmp2, $1  }
0x30: {  	_ =	sdelay $0x3  }
0x31: {  	s14 =	simm.s32 $0x1  }
0x32: {  	_ =	swait.ge [sflag:s7], $0x80;
	s14 =	simm.s32 @!p0 $0x0  }
0x33: {  	[sflag:s7] =	ssyncset.done $0x0;
	s14 =	sshll.u32 s14, $0x7  }
0x34: {  	[sflag:s7] =	ssyncadd.s32 $0xFFFFFF80;
	(ifvalue) =	ssetifvalue $0x7FFFFFFF;
	v0 =	vld.msk [tilespmem:s14+$0x0 ss:$0x1], $0xffff  }
0x35: {  	s15 =	sadd.s32 $0x10, s14  }
0x36: {  	v1 =	vld.msk [tilespmem:s15+$0x0 ss:$0x1], $0xffff;
	_ =	sdelay $0x2  }
0x37: {  	v2 =	vshrl.u32 v0, $0x2  }
0x38: {  	vm1 =	veq.s32 v0, $0x80000000;
	v0 =	vand.u32 $0x3, v0;
	v2 =	vand.u32 $0x7FFF, v2  }
0x39: {  	v0 =	vsel vm1, $0xFFFFFFFF, v0;
	v6 =	vshrl.u32 v1, $0x2;
	v2 =	vsel vm1, $0xFFFFFFFF, v2  }
0x3a: {  	v3 =	vshrl.u32 v0, $0x2;
	v0 =	vshll.u32 v0, $0x7;
	vm1 =	veq.s32 v1, $0x80000000  }
0x3b: {  	s15 =	sadd.s32 $0x10, s15;
	v1 =	vand.u32 $0x3, v1;
	v4 =	vshll.u32 v2, $0x2;
	v3 =	vmul.u32 $0x13A00, v3  }
0x3c: {  	v0 =	vand.u32 $0x180, v0;
	v7 =	vand.u32 $0x7F, v2;
	v5 =	vand.u32 $0xFFFFFE00, v4;
	v4 =	vld.msk [tilespmem:s15+$0x0 ss:$0x1], $0xffff  }
0x3d: {  	v1 =	vsel vm1, $0xFFFFFFFF, v1;
	v2 =	vadd.s32 v3, v5;
	v3 =	vand.u32 $0x7FFF, v6  }
0x3e: {  	v3 =	vsel vm1, $0xFFFFFFFF, v3;
	v0 =	vor.u32 v0, v2;
	v2 =	vshrl.u32 v1, $0x2  }
0x3f: {  	s16 =	sshll.u32 s12, $0x7;
	s18 =	simm.s32 $0x30;
	v1 =	vshll.u32 v1, $0x7;
	v5 =	vshll.u32 v3, $0x2;
	v8 =	vmul.u32 $0x13A00, v2  }
0x40: {  	s31 =	sand.u32 $0x80, s16;
	s17 =	sadd.s32 $0x10, s15;
	s15 =	sor.u32 $0x100, s14;
	v2 =	vand.u32 $0x180, v1;
	v0 =	vor.u32 v7, v0;
	v5 =	vand.u32 $0xFFFFFE00, v5  }
0x41: {  	s14 =	sor.u32 $0x100, s31;
	s16 =	smov.u32 s15;
	v1 =	vld.msk [tilespmem:s17+$0x0 ss:$0x1], $0xffff;
	v3 =	vand.u32 $0x7F, v3;
	(ifvalue) =	ssetifvalue $0x7FFFFFFF;
	v6 =	vshrl.u32 v4, $0x2;
	v5 =	vadd.s32 v8, v5  }
.LBB2_3:
0x42: {  	s18 =	sadd.s32 $0x10, s18  }
0x43: {  	vm1 =	veq.s32 v4, $0x80000000;
	v4 =	vand.u32 $0x3, v4;
	v6 =	vand.u32 $0x7FFF, v6;
	s15 =	sadd.s32 $0x10, s15;
	p1 =	slt.u32 s18, $0x70  }
.Ltmp3:
0x44: {  	v5 =	vor.u32 v2, v5;
	v4 =	vsel vm1, $0xFFFFFFFF, v4;
	v7 =	vsel vm1, $0xFFFFFFFF, v6;
	(pc) =	sbr.rel @p1 .LBB2_3-.Ltmp3, $4  }
0x45: {  	v2 =	vshrl.u32 v4, $0x2;
	v6 =	vshll.u32 v7, $0x2;
	v4 =	vshll.u32 v4, $0x7;
	[tilespmem:s16], [sflag:$0x1] =	stream.indirect_vreg.gather [hbm4b:s2+s10], $0x1, v0, vm0, $0x4038;
	[tilespmem:$0x200] =	vst v63  }
0x46: {  	v0 =	vor.u32 v3, v5;
	s16 =	smov.u32 s15;
	v8 =	vmul.u32 $0x13A00, v2;
	v2 =	vand.u32 $0x180, v4  }
0x47: {  	s17 =	sadd.s32 $0x10, s17;
	v9 =	vand.u32 $0xFFFFFE00, v6  }
0x48: {  	v3 =	vand.u32 $0x7F, v7;
	v6 =	vshrl.u32 v1, $0x2;
	v5 =	vadd.s32 v8, v9;
	(ifvalue) =	ssetifvalue $0x7FFFFFFF;
	v4 =	vmovc v1;
	v1 =	vld.msk [tilespmem:s17+$0x0 ss:$0x1], $0xffff  }
.Ltmp4:
0x49: {  	_ = 	snop;
	(pc) =	sbr.rel .LBB2_4-.Ltmp4, $1  }
0x4a: {  	_ =	sdelay $0x3  }
.LBB2_6:
0x4b: {  	_ =	sfence.sel $0x180000  }
0x4c: {  	s2 =	simm.s32 $0x2;
	[bflag:$0x0] =	sbarrier.arrive $0xFFFF  }
0x4d: {  	s30 =	simm.s32 $0x3;
	[sflag:s2] =	ssyncpa.u1 $0x1  }
0x4e: {  	s31 =	simm.s32 $0x1;
	[sflag:s30] =	ssyncpa.u1 $0x1  }
0x4f: {  	[sflag:s31] =	ssyncpa.u1 $0x1  }
0x50: {  	p0 =	sne.s32 s0, $0x0;
	_ =	strace $0x90000047  }
0x51: {  	s0 =	sadd.s32 @!p0 $0x100000, s1;
	[bflag:$0x2] =	sbarrier.arrive $0xFFFF  }
0x52: {  	[sflag:s0] =	ssyncadd.tile.s32 @!p0 $0x1;
	_ =	shalt  }
.Lfunc_end2:
_tile_overlayer_lowered:
.L_overlay_start_2:
0x53: {  	(tag) =	ssettag $0x2  }
0x54: {  	s0 =	rddreg [dreg:$0x0];
	s2 =	stileid.u32  }
0x55: {  	s1 =	rddreg [dreg:$0x1];
	p0 =	sne.s32 s2, $0x0  }
0x56: {  	s3 =	rddreg [dreg:$0x2];
	[bflag:$0x3] =	sbarrier.arrive $0xFFFF;
	s2 =	simm.s32 @!p0 $0x1C01  }
0x57: {  	[timem:s3], [sflag:s2] =	dma.local @!p0 [hbm:s0], s1  }
0x58: {  	s0 =	simm.s32 @!p0 $0x1  }
0x59: {  	_ =	swait.ge @!p0 [sflag:s0], s1  }
0x5a: {  	s1 =	ssub.s32 @!p0 $0x0, s1;
	[sflag:s0] =	ssyncset.done @!p0 $0x0  }
0x5b: {  	[sflag:s0] =	ssyncadd.s32 @!p0 s1  }
0x5c: {  	[bflag:$0x3] =	sbarrier.arrive $0xFFFF  }
0x5d: {  	_ =	shalt  }

// kernel: gather_offload_async_start.3
scs
__scs_entry_jumppad:
0x0: {  	(pc) =	sbr.rel $0x88, $3  }
0x1: {  	(tag) =	ssettag $0x0;
	lr =	simm.s32 $0x1  }
0x2: {  	[smem:$0x3F9F] =	sst lr;
	_ =	strace $0xD0000000  }
0x3: {  	_ = 	snop  }
0x4: {  	_ = 	snop  }
0x5: {  	_ = 	snop  }
0x6: {  	_ = 	snop  }
0x7: {  	_ = 	snop  }
__scs_overlays_trampoline_lowered:
0x8: {  	[smem:$0x3FAE] =	sst s0  }
0x9: {  	[smem:$0x3FAF] =	sst s1  }
0xa: {  	[smem:$0x3FB0] =	sst s2  }
0xb: {  	[smem:$0x3FB1] =	sst s3  }
0xc: {  	[smem:$0x3FB2] =	sst s4  }
0xd: {  	[smem:$0x3FB3] =	sst s5  }
0xe: {  	[smem:$0x3FB4] =	sst s6  }
0xf: {  	[smem:$0x3FB5] =	sst s7  }
0x10: {  	[smem:$0x3FB6] =	sst s8  }
0x11: {  	[smem:$0x3FB7] =	sst s9;
	s0 =	simm.s32 @!p0 $0x0  }
0x12: {  	s1 =	sld [smem:$0x3F9D];
	s0 =	simm.s32 @p0 $0x1  }
0x13: {  	[smem:$0x3FB8] =	sst s0;
	s0 =	simm.s32 @!p1 $0x0  }
0x14: {  	s2 =	sld [smem:$0x3F9C];
	s0 =	simm.s32 @p1 $0x1  }
0x15: {  	[smem:$0x3FB9] =	sst s0;
	s0 =	simm.s32 @!p2 $0x0  }
0x16: {  	s3 =	sld [smem:$0x3FDB];
	s0 =	simm.s32 @p2 $0x1  }
0x17: {  	s4 =	simm.s32 $0x1BF5;
	[smem:$0x3FBB] =	sst s0  }
0x18: {  	s0 =	sld [smem:$0x3F9E];
	_ =	swait.ge [sflag:s4], $0x0  }
0x19: {  	s7 =	sld [smem:$0x3F9F]  }
0x1a: {  	s8 =	sadd.s32 $0xFFFFE003, lr  }
0x1b: {  	s9 =	sadd.s32 $0xFFFFFEF7, lr;
	s5 =	simm.s32 $0xFFFFFFFF;
	p2 =	slt.u32 s8, $0xFFFFF086  }
0x1c: {  	p1 =	slt.u32 s9, $0xF7A;
	s5 =	simm.s32 @!p2 $0x0  }
0x1d: {  	s5 =	simm.s32 @p1 $0x1;
	p0 =	seq.s32 s7, s2  }
0x1e: {  	s7 =	smul.u32 @!p0 $0xF7A, s2;
	p2 =	seq.s32 @!p0 s5, $0x0  }
0x1f: {  	s9 =	smul.u32 $0xF7A, s1;
	s8 =	simm.s32 @!p0 $0x1BF5;
	p2 =	por !p2, p0  }
0x20: {  	[sflag:s8] =	ssyncset.s32 @!p0 $0xFFFFF086;
	s6 =	sadd.s32 @!p0 s3, s7;
	s7 =	simm.s32 @!p0 $0x108  }
0x21: {  	s3 =	sadd.s32 s3, s9;
	s6 =	sadd.s32 @!p0 $0x88, s6;
	s7 =	simm.s32 @p2 $0x1082  }
0x22: {  	[simem:s7], [sflag:s8] =	dma.local @!p0 [hbm:s6], $0xF7A  }
0x23: {  	s9 =	sor.u32 $0xD0000000, s2;
	s6 =	simm.s32 $0x108;
	_ =	swait.ge @!p0 [sflag:s8], $0x0  }
0x24: {  	s3 =	sadd.s32 $0x88, s3;
	s6 =	simm.s32 @!p1 $0x1082;
	[sflag:s4] =	ssyncset.s32 $0xFFFFF086  }
0x25: {  	[simem:s6], [sflag:s4] =	dma.local [hbm:s3], $0xF7A  }
0x26: {  	[smem:$0x3F9F] =	sst s1;
	(tag) =	ssettag s2;
	_ =	strace s9  }
0x27: {  	s1 =	sld [smem:$0x3FAF]  }
0x28: {  	s2 =	sld [smem:$0x3FB0]  }
0x29: {  	s4 =	sld [smem:$0x3FB2]  }
0x2a: {  	p0 =	seq.s32 s5, $0x0;
	s5 =	sld [smem:$0x3FB3]  }
0x2b: {  	s6 =	sld [smem:$0x3FB4]  }
0x2c: {  	s7 =	sld [smem:$0x3FB5]  }
0x2d: {  	s3 =	simm.s32 $0x108;
	s8 =	sld [smem:$0x3FB6]  }
0x2e: {  	s3 =	simm.s32 @!p0 $0x1082;
	s9 =	sld [smem:$0x3FB7]  }
0x2f: {  	lr =	sadd.s32 s0, s3;
	s0 =	sld [smem:$0x3FAE]  }
0x30: {  	s3 =	sld [smem:$0x3FB1]  }
0x31: {  	[smem:$0x3FBA] =	sst s10  }
0x32: {  	s10 =	sld [smem:$0x3FB8];
	_ =	sdelay $0x3  }
0x33: {  	p0 =	seq.s32 s10, $0x1;
	s10 =	sld [smem:$0x3FBA];
	_ =	sdelay $0x3  }
0x34: {  	[smem:$0x3FBA] =	sst s10  }
0x35: {  	s10 =	sld [smem:$0x3FB9];
	_ =	sdelay $0x3  }
0x36: {  	p1 =	seq.s32 s10, $0x1;
	s10 =	sld [smem:$0x3FBA];
	_ =	sdelay $0x3  }
0x37: {  	[smem:$0x3FBA] =	sst s10  }
0x38: {  	s10 =	sld [smem:$0x3FBB]  }
0x39: {  	_ = 	snop;
	(pc) =	sbr.ind lr, $3  }
0x3a: {  	_ = 	snop  }
0x3b: {  	_ = 	snop  }
0x3c: {  	p2 =	seq.s32 s10, $0x1;
	s10 =	sld [smem:$0x3FBA]  }
0x3d: {  	_ =	shalt  }
0x3e: {  	_ =	shalt  }
0x3f: {  	_ =	shalt  }
0x40: {  	_ =	shalt  }
0x41: {  	_ =	shalt  }
0x42: {  	_ =	shalt  }
0x43: {  	_ =	shalt  }
0x44: {  	_ =	shalt  }
0x45: {  	_ =	shalt  }
0x46: {  	_ =	shalt  }
0x47: {  	_ =	shalt  }
0x48: {  	_ =	shalt  }
0x49: {  	_ =	shalt  }
0x4a: {  	_ =	shalt  }
0x4b: {  	_ =	shalt  }
0x4c: {  	_ =	shalt  }
0x4d: {  	_ =	shalt  }
0x4e: {  	_ =	shalt  }
0x4f: {  	_ =	shalt  }
0x50: {  	_ =	shalt  }
0x51: {  	_ =	shalt  }
0x52: {  	_ =	shalt  }
0x53: {  	_ =	shalt  }
0x54: {  	_ =	shalt  }
0x55: {  	_ =	shalt  }
0x56: {  	_ =	shalt  }
0x57: {  	_ =	shalt  }
0x58: {  	_ =	shalt  }
0x59: {  	_ =	shalt  }
0x5a: {  	_ =	shalt  }
0x5b: {  	_ =	shalt  }
0x5c: {  	_ =	shalt  }
0x5d: {  	_ =	shalt  }
0x5e: {  	_ =	shalt  }
0x5f: {  	_ =	shalt  }
0x60: {  	_ =	shalt  }
0x61: {  	_ =	shalt  }
0x62: {  	_ =	shalt  }
0x63: {  	_ =	shalt  }
0x64: {  	_ =	shalt  }
0x65: {  	_ =	shalt  }
0x66: {  	_ =	shalt  }
0x67: {  	_ =	shalt  }
0x68: {  	_ =	shalt  }
0x69: {  	_ =	shalt  }
0x6a: {  	_ =	shalt  }
0x6b: {  	_ =	shalt  }
0x6c: {  	_ =	shalt  }
0x6d: {  	_ =	shalt  }
0x6e: {  	_ =	shalt  }
0x6f: {  	_ =	shalt  }
0x70: {  	_ =	shalt  }
0x71: {  	_ =	shalt  }
0x72: {  	_ =	shalt  }
0x73: {  	_ =	shalt  }
0x74: {  	_ =	shalt  }
0x75: {  	_ =	shalt  }
0x76: {  	_ =	shalt  }
0x77: {  	_ =	shalt  }
0x78: {  	_ =	shalt  }
0x79: {  	_ =	shalt  }
0x7a: {  	_ =	shalt  }
0x7b: {  	_ =	shalt  }
0x7c: {  	_ =	shalt  }
0x7d: {  	_ =	shalt  }
0x7e: {  	_ =	shalt  }
0x7f: {  	_ =	shalt  }
0x80: {  	_ =	shalt  }
0x81: {  	_ =	shalt  }
0x82: {  	_ =	shalt  }
0x83: {  	_ =	shalt  }
0x84: {  	_ =	shalt  }
0x85: {  	_ =	shalt  }
0x86: {  	_ =	shalt  }
0x87: {  	_ =	shalt  }
.Lfunc_end0:
.L_simem_size_0:
called_computation.3_lowered:
.L_overlay_start_0:
0x88: {  	s0 =	sld [smem:$0x3FD9]  }
0x89: {  	s1 =	sld [smem:$0x3FFE];
	_ =	sdelay $0x3  }
0x8a: {  	s0 =	sadd.s32 s1, s0  }
0x8b: {  	[smem:$0x3FC6] =	sst s0  }
0x8c: {  	_ = 	snop  }
0x8d: {  	s0 =	sld [smem:$0x3FD0];
	_ =	sdelay $0x2  }
0x8e: {  	s13 =	simm.s32 $0xA;
	s2 =	simm.s32 $0x10  }
0x8f: {  	[smem:s2], [sflag:s13] =	dma.local [hbm:s0], $0x1  }
0x90: {  	_ =	swait.eq [sflag:s13], $0x1  }
0x91: {  	[sflag:s13] =	ssyncset.done $0x0  }
0x92: {  	s14 =	sld [smem:$0x10];
	[sflag:s13] =	ssyncadd.s32 $0xFFFFFFFF  }
0x93: {  	s15 =	sld [smem:$0x12];
	(tm) =	ssettm $0x1  }
0x94: {  	s16 =	sld [smem:$0x3FFB];
	_ =	sdelay $0x3  }
0x95: {  	_ =	strace s16  }
0x96: {  	s2 =	sld [smem:$0x3FFC];
	_ =	sdelay $0x3  }
0x97: {  	_ =	strace s2  }
0x98: {  	s2 =	sld [smem:$0x3FFD];
	_ =	sdelay $0x3  }
0x99: {  	_ =	strace s2  }
0x9a: {  	_ =	strace $0x8FFFFFFF  }
0x9b: {  	s17 =	sld [smem:$0x3FDB];
	_ =	sdelay $0x1  }
0x9c: {  	s3 =	simm.s32 $_scs_section_size  }
0x9d: {  	s4 =	simm.s32 $_size__tile_overlayer_lowered;
	s5 =	simm.s32 $_tile_overlayer_lowered  }
0x9e: {  	s20 =	simm.s32 $0x1BFF;
	s19 =	sshll.u32 s5, $0x1;
	s2 =	sadd.s32 s3, s17  }
0x9f: {  	s6 =	simm.s32 $0x0;
	s18 =	sshll.u32 s4, $0x1;
	s4 =	sadd.s32 s19, s2  }
0xa0: {  	[timem:s6], [sflag:s20] =	dma.local [hbm:s4], s18  }
0xa1: {  	_ =	swait.ge [sflag:s20], s18  }
0xa2: {  	s3 =	ssub.s32 $0x0, s18;
	[sflag:s20] =	ssyncset.done $0x0  }
0xa3: {  	[sflag:s20] =	ssyncadd.s32 s3;
	_ =	sdelay $0x1  }
0xa4: {  	s21 =	simm.s32 $0x1B8B  }
0xa5: {  	_ =	swait.ge [sflag:s21], $0x1  }
0xa6: {  	[sflag:s21] =	ssyncset.done $0x0  }
0xa7: {  	s23 =	simm.s32 $0x1B8E;
	s22 =	sld [smem:$0x3FFE];
	[sflag:s21] =	ssyncadd.s32 $0xFFFFFFFF  }
0xa8: {  	s24 =	simm.s32 $execute0_lowered;
	[smem:$0x3FD2] =	sst s23  }
0xa9: {  	s4 =	sshll.u32 s24, $0x1;
	_ =	strace $0x8000004F;
	[dreg:$0x1] =	wrdreg $0xFFFFFFFF  }
0xaa: {  	s25 =	simm.s32 $_size_execute0_lowered;
	s2 =	sadd.s32 s2, s4;
	[dreg:$0x0] =	wrdreg $0x0  }
0xab: {  	s4 =	sshll.u32 s25, $0x1;
	[dreg:$0x2] =	wrdreg s2  }
0xac: {  	[dreg:$0x3] =	wrdreg s4  }
0xad: {  	[dreg:$0x4] =	wrdreg $0xC0  }
0xae: {  	_ =	task [dreg:s6], $0x5FFFF  }
0xaf: {  	[dreg:$0x1] =	wrdreg $0xFFFFFFFF  }
0xb0: {  	[dreg:$0x0] =	wrdreg $0x60  }
0xb1: {  	[dreg:$0x2] =	wrdreg s22  }
0xb2: {  	[dreg:$0x3] =	wrdreg s14  }
0xb3: {  	[dreg:$0x4] =	wrdreg s15  }
0xb4: {  	[dreg:$0x5] =	wrdreg $0x9  }
0xb5: {  	_ =	task.clear_ibuf [dreg:s6], $0x6FFFF;
	_ =	strace $0x9000004F  }
0xb6: {  	s26 =	simm.s32 $0x9;
	_ =	strace $0x80000051  }
0xb7: {  	_ =	swait.ge [sflag:s26], $0x1  }
0xb8: {  	[sflag:s26] =	ssyncadd.s32 $0xFFFFFFFF  }
0xb9: {  	_ =	strace $0x90000051  }
0xba: {  	_ =	sfence  }
0xbb: {  	s28 =	sld [smem:$0x0];
	_ =	sdelay $0x1  }
0xbc: {  	s29 =	srdreg.scid  }
0xbd: {  	s30 =	sshll.u32 s29, $0xD;
	s31 =	sshrl.u32 s29, $0x2  }
0xbe: {  	s1 =	sand.u32 $0x1, s29;
	s2 =	sand.u32 $0x4000, s30;
	s0 =	sadd.s32 s31, s28  }
0xbf: {  	s1 =	sor.u32 s2, s1;
	s0 =	sshll.u32 s0, $0x11  }
0xc0: {  	s0 =	sor.u32 s0, s1  }
0xc1: {  	s0 =	sadd.s32 $0x8F2B, s0  }
0xc2: {  	[sflag:s0] =	ssyncadd.remote.s32 $0x1  }
0xc3: {  	_ =	sfence.sel $0xFFFF  }
0xc4: {  	[dreg:$0x0] =	wrdreg $0xFFFFFFFF;
	(pc) =	sbr.abs _section_cstart, $3  }
0xc5: {  	[dreg:$0x1] =	wrdreg $0xFFFFFFFF  }
0xc6: {  	_ =	task.clear_ibuf [dreg:s6], $0x2FFFF;
	_ =	strace $0x9FFFFFFF  }
0xc7: {  	(tm) =	ssettm $0x7FFFFFFF  }
tec
execute0_lowered:
.L_overlay_start_1:
0x0: {  	(tag) =	ssettag $0x1  }
0x1: {  	s2 =	rddreg [dreg:$0x0]  }
0x2: {  	s3 =	rddreg [dreg:$0x1]  }
0x3: {  	s4 =	rddreg [dreg:$0x2]  }
0x4: {  	s0 =	rddreg [dreg:$0x3];
	s1 =	stileid.u32  }
0x5: {  	_ =	strace $0x80000050;
	s6 =	simm.s32 $0x1;
	s7 =	simm.s32 $0x500  }
0x6: {  	s9 =	simm.s32 $0x1;
	s10 =	simm.s32 $0x3;
	s5 =	smul.u32 $0x50, s1  }
0x7: {  	s13 =	simm.s32 $0x0;
	s12 =	simm.s32 $0x0;
	p0 =	slt.u32 s1, $0xA  }
.Ltmp0:
0x8: {  	s7 =	simm.s32 @!p0 $0x0;
	s8 =	ssub.s32 $0x7D0, s5;
	(pc) =	sbr.rel .LBB2_1-.Ltmp0, $4  }
0x9: {  	s9 =	simm.s32 @!p0 $0x0;
	p0 =	sne.s32 s8, s7;
	s8 =	simm.s32 $0x1  }
0xa: {  	[sflag:s6] =	ssyncpa.u1 $0x0;
	s7 =	simm.s32 $0x2;
	s8 =	simm.s32 @!p0 $0x0  }
0xb: {  	s11 =	smov.u32 s5;
	[sflag:s7] =	ssyncpa.u1 $0x0;
	s8 =	sadd.s32 s9, s8  }
0xc: {  	vm0 =	vmmov $0xffff;
	[sflag:s10] =	ssyncpa.u1 $0x0;
	s10 =	simm.s32 $0x0;
	s9 =	sadd.s32 $0x1, s8  }
.LBB2_4:
0xd: {  	v5 =	vld.msk [tilespmem:s18+$0x0 ss:$0x1], $0xffff  }
0xe: {  	v6 =	vand.u32 $0x3, v1;
	v7 =	vshrl.u32 v1, $0x2  }
0xf: {  	v3 =	vor.u32 v4, v3;
	vm1 =	veq.s32 v1, $0x80000000;
	v53 =	vand.u32 $0x7FF, v7  }
0x10: {  	v2 =	vor.u32 v2, v3;
	v54 =	vsel vm1, $0xFFFFFFFF, v6;
	v1 =	vsel vm1, $0xFFFFFFFF, v53  }
0x11: {  	v6 =	vshll.u32 v54, $0x7;
	v3 =	vand.u32 $0xFFFFE000, v54;
	v55 =	vand.u32 $0x7F, v1  }
0x12: {  	v1 =	vshll.u32 v1, $0x2;
	v6 =	vand.u32 $0x180, v6;
	v56 =	vshrl.u32 v5, $0x2  }
0x13: {  	v1 =	vand.u32 $0xFFFFFE00, v1;
	vm1 =	veq.s32 v5, $0x80000000;
	v57 =	vand.u32 $0x7FF, v56  }
0x14: {  	v1 =	vadd.s32 v3, v1;
	v5 =	vand.u32 $0x3, v5;
	v3 =	vsel vm1, $0xFFFFFFFF, v57  }
0x15: {  	v1 =	vor.u32 v6, v1;
	v5 =	vsel vm1, $0xFFFFFFFF, v5;
	v58 =	vshll.u32 v3, $0x2  }
0x16: {  	v59 =	vshll.u32 v5, $0x7;
	v5 =	vand.u32 $0xFFFFE000, v5;
	v6 =	vand.u32 $0xFFFFFE00, v58  }
0x17: {  	v1 =	vor.u32 v55, v1;
	v61 =	vand.u32 $0x180, v59;
	v60 =	vadd.s32 v5, v6  }
0x18: {  	[tilespmem:s16], [sflag:$0x1] =	stream.indirect_vreg.gather [hbm4b:s2+s10], $0x1, v0, vm0, $0x4038;
	v62 =	vand.u32 $0x7F, v3;
	v63 =	vor.u32 v61, v60;
	[tilespmem:$0x140] =	vst v63  }
0x19: {  	(ifvalue) =	ssetifvalue $0x7FFFFFFF;
	v0 =	vor.u32 v62, v63  }
0x1a: {  	[tilespmem:s15], [sflag:$0x1] =	stream.indirect_vreg.gather [hbm4b:s2+s10], $0x1, v2, vm0, $0x4038;
	[tilespmem:$0x140] =	vst v63  }
0x1b: {  	s29 =	sadd.s32 $0x10, s15;
	(ifvalue) =	ssetifvalue $0x7FFFFFFF  }
0x1c: {  	[tilespmem:s29], [sflag:$0x1] =	stream.indirect_vreg.gather [hbm4b:s2+s10], $0x1, v1, vm0, $0x4038;
	[tilespmem:$0x140] =	vst v63  }
0x1d: {  	s15 =	sadd.s32 $0x10, s29;
	(ifvalue) =	ssetifvalue $0x7FFFFFFF  }
0x1e: {  	[tilespmem:s15], [sflag:$0x1] =	stream.indirect_vreg.gather [hbm4b:s2+s10], $0x1, v0, vm0, $0x4038;
	[tilespmem:$0x140] =	vst v63  }
0x1f: {  	_ =	swait.ge [sflag:s6], $0x50  }
0x20: {  	s30 =	sshrl.u32 s13, $0x3;
	[sflag:s6] =	ssyncset.done $0x0  }
0x21: {  	s31 =	sand.u32 $0x7, s13;
	s15 =	sadd.s32 s4, s30;
	[sflag:s6] =	ssyncadd.s32 $0xFFFFFFB0  }
0x22: {  	[hbm4b:s15+s31] =	stream.linear.scatter [tilespmem:s14], [sflag:$0x3], $0x50, $0x38;
	[tilespmem:$0x140] =	vst v63  }
.LBB2_5:
0x23: {  	s15 =	sadd.s32 $0x500, s11  }
0x24: {  	p1 =	sgt.s32 s15, $0x7CF  }
0x25: {  	s15 =	smov.u32 @p1 s5;
	p1 =	sne.s32 s12, s9  }
.Ltmp1:
0x26: {  	p0 =	slt.u32 s12, $0x2;
	(pc) =	sbr.rel @!p1 .LBB2_6-.Ltmp1, $4  }
0x27: {  	s14 =	simm.s32 @!p0 $0x3  }
0x28: {  	_ =	swait.ge @!p0 [sflag:s14], $0x50  }
0x29: {  	s16 =	sadd.s32 $0x1, s12;
	s13 =	smov.u32 s11;
	[sflag:s14] =	ssyncset.done @!p0 $0x0  }
0x2a: {  	s12 =	smov.u32 s16;
	s11 =	smov.u32 s15;
	[sflag:s14] =	ssyncadd.s32 @!p0 $0xFFFFFFB0  }
.LBB2_1:
0x2b: {  	p0 =	sge.u32 s12, s8  }
0x2c: {  	s14 =	sxor.u32 @!p0 $0x1, s12  }
0x2d: {  	s14 =	smul.u32 @!p0 $0x140, s14  }
0x2e: {  	s31 =	sadd.s32 $0xFFFFFFFF, s12;
	s15 =	sshrl.u32 @!p0 s11, $0x3  }
0x2f: {  	s16 =	sand.u32 @!p0 $0x7, s11;
	s15 =	sadd.s32 @!p0 s3, s15;
	s14 =	sshra.s32 @!p0 s14, $0x2  }
0x30: {  	[tilespmem:s14], [sflag:$0x2] =	stream.linear.gather @!p0 [hbm4b:s15+s16], $0x50, $0x38;
	[tilespmem:$0x140] =	vst v63  }
0x31: {  	p0 =	sge.u32 s31, s8  }
.Ltmp2:
0x32: {  	_ = 	snop;
	(pc) =	sbr.rel @p0 .LBB2_5-.Ltmp2, $1  }
0x33: {  	_ =	sdelay $0x3  }
0x34: {  	s14 =	sand.u32 $0x1, s12  }
0x35: {  	_ =	swait.ge [sflag:s7], $0x50;
	p0 =	seq.s32 s14, $0x1;
	s14 =	simm.s32 $0x50  }
0x36: {  	[sflag:s7] =	ssyncset.done $0x0;
	s14 =	simm.s32 @!p0 $0x0  }
0x37: {  	[sflag:s7] =	ssyncadd.s32 $0xFFFFFFB0;
	(ifvalue) =	ssetifvalue $0x7FFFFFFF;
	v0 =	vld.msk [tilespmem:s14+$0x0 ss:$0x1], $0xffff;
	_ =	sdelay $0x4  }
0x38: {  	s15 =	sadd.s32 $0x10, s14;
	v2 =	vshrl.u32 v0, $0x2  }
0x39: {  	v1 =	vld.msk [tilespmem:s15+$0x0 ss:$0x1], $0xffff;
	vm1 =	veq.s32 v0, $0x80000000;
	v2 =	vand.u32 $0x7FF, v2  }
0x3a: {  	v0 =	vand.u32 $0x3, v0;
	v2 =	vsel vm1, $0xFFFFFFFF, v2  }
0x3b: {  	v0 =	vsel vm1, $0xFFFFFFFF, v0;
	v3 =	vshll.u32 v2, $0x2  }
0x3c: {  	v4 =	vand.u32 $0xFFFFE000, v0;
	v0 =	vshll.u32 v0, $0x7;
	v3 =	vand.u32 $0xFFFFFE00, v3  }
0x3d: {  	v0 =	vand.u32 $0x180, v0;
	v3 =	vadd.s32 v4, v3  }
0x3e: {  	v2 =	vand.u32 $0x7F, v2;
	v4 =	vshrl.u32 v1, $0x2;
	v0 =	vor.u32 v0, v3  }
0x3f: {  	vm1 =	veq.s32 v1, $0x80000000;
	v4 =	vand.u32 $0x7FF, v4;
	v0 =	vor.u32 v2, v0  }
0x40: {  	s15 =	sadd.s32 $0x10, s15;
	v1 =	vand.u32 $0x3, v1;
	v3 =	vsel vm1, $0xFFFFFFFF, v4  }
0x41: {  	s14 =	sor.u32 $0xA0, s14;
	v2 =	vsel vm1, $0xFFFFFFFF, v1;
	v1 =	vld.msk [tilespmem:s15+$0x0 ss:$0x1], $0xffff;
	v4 =	vshll.u32 v3, $0x2  }
0x42: {  	s17 =	simm.s32 $0x30;
	s16 =	smov.u32 s14;
	v5 =	vshll.u32 v2, $0x7;
	v6 =	vand.u32 $0xFFFFE000, v2;
	v4 =	vand.u32 $0xFFFFFE00, v4  }
0x43: {  	s18 =	sadd.s32 $0x10, s15;
	(ifvalue) =	ssetifvalue $0x7FFFFFFF;
	s15 =	sadd.s32 $0x10, s14;
	v2 =	vand.u32 $0x7F, v3;
	v3 =	vadd.s32 v6, v4;
	v4 =	vand.u32 $0x180, v5  }
.LBB2_3:
0x44: {  	[tilespmem:s16], [sflag:$0x1] =	stream.indirect_vreg.gather [hbm4b:s2+s10], $0x1, v0, vm0, $0x4038;
	[tilespmem:$0x140] =	vst v63  }
0x45: {  	s17 =	sadd.s32 $0x10, s17  }
0x46: {  	v5 =	vand.u32 $0x3, v1;
	v6 =	vshrl.u32 v1, $0x2;
	v3 =	vor.u32 v4, v3;
	v0 =	vmovc v1;
	v1 =	vld.msk [tilespmem:s18+$0x0 ss:$0x1], $0xffff;
	p0 =	slt.u32 s17, $0x40  }
.Ltmp3:
0x47: {  	s16 =	smov.u32 s15;
	vm1 =	veq.s32 v0, $0x80000000;
	v4 =	vand.u32 $0x7FF, v6;
	v0 =	vor.u32 v2, v3;
	(pc) =	sbr.rel @p0 .LBB2_3-.Ltmp3, $4  }
0x48: {  	v3 =	vsel vm1, $0xFFFFFFFF, v5;
	v4 =	vsel vm1, $0xFFFFFFFF, v4  }
0x49: {  	v2 =	vand.u32 $0x7F, v4;
	v4 =	vshll.u32 v4, $0x2;
	v5 =	vshll.u32 v3, $0x7  }
0x4a: {  	v3 =	vand.u32 $0xFFFFE000, v3;
	v4 =	vand.u32 $0xFFFFFE00, v4  }
0x4b: {  	s18 =	sadd.s32 $0x10, s18;
	s15 =	sadd.s32 $0x10, s15;
	v3 =	vadd.s32 v3, v4;
	v4 =	vand.u32 $0x180, v5;
	(ifvalue) =	ssetifvalue $0x7FFFFFFF  }
.Ltmp4:
0x4c: {  	_ = 	snop;
	(pc) =	sbr.rel .LBB2_4-.Ltmp4, $1  }
0x4d: {  	_ =	sdelay $0x3  }
.LBB2_6:
0x4e: {  	_ =	sfence.sel $0x180000  }
0x4f: {  	s2 =	simm.s32 $0x2;
	[bflag:$0x0] =	sbarrier.arrive $0xFFFF  }
0x50: {  	s30 =	simm.s32 $0x3;
	[sflag:s2] =	ssyncpa.u1 $0x1  }
0x51: {  	s31 =	simm.s32 $0x1;
	[sflag:s30] =	ssyncpa.u1 $0x1  }
0x52: {  	[sflag:s31] =	ssyncpa.u1 $0x1  }
0x53: {  	p0 =	sne.s32 s1, $0x0;
	_ =	strace $0x90000050  }
0x54: {  	s0 =	sadd.s32 @!p0 $0x100000, s0;
	[bflag:$0x2] =	sbarrier.arrive $0xFFFF  }
0x55: {  	[sflag:s0] =	ssyncadd.tile.s32 @!p0 $0x1;
	_ =	shalt  }
.Lfunc_end2:
_tile_overlayer_lowered:
.L_overlay_start_2:
0x56: {  	(tag) =	ssettag $0x2  }
0x57: {  	s0 =	rddreg [dreg:$0x0];
	s2 =	stileid.u32  }
0x58: {  	s1 =	rddreg [dreg:$0x1];
	p0 =	sne.s32 s2, $0x0  }
0x59: {  	s3 =	rddreg [dreg:$0x2];
	[bflag:$0x3] =	sbarrier.arrive $0xFFFF;
	s2 =	simm.s32 @!p0 $0x1C01  }
0x5a: {  	[timem:s3], [sflag:s2] =	dma.local @!p0 [hbm:s0], s1  }
0x5b: {  	s0 =	simm.s32 @!p0 $0x1  }
0x5c: {  	_ =	swait.ge @!p0 [sflag:s0], s1  }
0x5d: {  	s1 =	ssub.s32 @!p0 $0x0, s1;
	[sflag:s0] =	ssyncset.done @!p0 $0x0  }
0x5e: {  	[sflag:s0] =	ssyncadd.s32 @!p0 s1  }
0x5f: {  	[bflag:$0x3] =	sbarrier.arrive $0xFFFF  }
0x60: {  	_ =	shalt  }

// kernel: gather_offload_async_start
scs
__scs_entry_jumppad:
0x0: {  	(pc) =	sbr.rel $0x88, $3  }
0x1: {  	(tag) =	ssettag $0x0;
	lr =	simm.s32 $0x1  }
0x2: {  	[smem:$0x3F9F] =	sst lr;
	_ =	strace $0xD0000000  }
0x3: {  	_ = 	snop  }
0x4: {  	_ = 	snop  }
0x5: {  	_ = 	snop  }
0x6: {  	_ = 	snop  }
0x7: {  	_ = 	snop  }
__scs_overlays_trampoline_lowered:
0x8: {  	[smem:$0x3FAE] =	sst s0  }
0x9: {  	[smem:$0x3FAF] =	sst s1  }
0xa: {  	[smem:$0x3FB0] =	sst s2  }
0xb: {  	[smem:$0x3FB1] =	sst s3  }
0xc: {  	[smem:$0x3FB2] =	sst s4  }
0xd: {  	[smem:$0x3FB3] =	sst s5  }
0xe: {  	[smem:$0x3FB4] =	sst s6  }
0xf: {  	[smem:$0x3FB5] =	sst s7  }
0x10: {  	[smem:$0x3FB6] =	sst s8  }
0x11: {  	[smem:$0x3FB7] =	sst s9;
	s0 =	simm.s32 @!p0 $0x0  }
0x12: {  	s1 =	sld [smem:$0x3F9D];
	s0 =	simm.s32 @p0 $0x1  }
0x13: {  	[smem:$0x3FB8] =	sst s0;
	s0 =	simm.s32 @!p1 $0x0  }
0x14: {  	s2 =	sld [smem:$0x3F9C];
	s0 =	simm.s32 @p1 $0x1  }
0x15: {  	[smem:$0x3FB9] =	sst s0;
	s0 =	simm.s32 @!p2 $0x0  }
0x16: {  	s3 =	sld [smem:$0x3FDB];
	s0 =	simm.s32 @p2 $0x1  }
0x17: {  	s4 =	simm.s32 $0x1BF5;
	[smem:$0x3FBB] =	sst s0  }
0x18: {  	s0 =	sld [smem:$0x3F9E];
	_ =	swait.ge [sflag:s4], $0x0  }
0x19: {  	s7 =	sld [smem:$0x3F9F]  }
0x1a: {  	s8 =	sadd.s32 $0xFFFFE003, lr  }
0x1b: {  	s9 =	sadd.s32 $0xFFFFFEF7, lr;
	s5 =	simm.s32 $0xFFFFFFFF;
	p2 =	slt.u32 s8, $0xFFFFF086  }
0x1c: {  	p1 =	slt.u32 s9, $0xF7A;
	s5 =	simm.s32 @!p2 $0x0  }
0x1d: {  	s5 =	simm.s32 @p1 $0x1;
	p0 =	seq.s32 s7, s2  }
0x1e: {  	s7 =	smul.u32 @!p0 $0xF7A, s2;
	p2 =	seq.s32 @!p0 s5, $0x0  }
0x1f: {  	s9 =	smul.u32 $0xF7A, s1;
	s8 =	simm.s32 @!p0 $0x1BF5;
	p2 =	por !p2, p0  }
0x20: {  	[sflag:s8] =	ssyncset.s32 @!p0 $0xFFFFF086;
	s6 =	sadd.s32 @!p0 s3, s7;
	s7 =	simm.s32 @!p0 $0x108  }
0x21: {  	s3 =	sadd.s32 s3, s9;
	s6 =	sadd.s32 @!p0 $0x88, s6;
	s7 =	simm.s32 @p2 $0x1082  }
0x22: {  	[simem:s7], [sflag:s8] =	dma.local @!p0 [hbm:s6], $0xF7A  }
0x23: {  	s9 =	sor.u32 $0xD0000000, s2;
	s6 =	simm.s32 $0x108;
	_ =	swait.ge @!p0 [sflag:s8], $0x0  }
0x24: {  	s3 =	sadd.s32 $0x88, s3;
	s6 =	simm.s32 @!p1 $0x1082;
	[sflag:s4] =	ssyncset.s32 $0xFFFFF086  }
0x25: {  	[simem:s6], [sflag:s4] =	dma.local [hbm:s3], $0xF7A  }
0x26: {  	[smem:$0x3F9F] =	sst s1;
	(tag) =	ssettag s2;
	_ =	strace s9  }
0x27: {  	s1 =	sld [smem:$0x3FAF]  }
0x28: {  	s2 =	sld [smem:$0x3FB0]  }
0x29: {  	s4 =	sld [smem:$0x3FB2]  }
0x2a: {  	p0 =	seq.s32 s5, $0x0;
	s5 =	sld [smem:$0x3FB3]  }
0x2b: {  	s6 =	sld [smem:$0x3FB4]  }
0x2c: {  	s7 =	sld [smem:$0x3FB5]  }
0x2d: {  	s3 =	simm.s32 $0x108;
	s8 =	sld [smem:$0x3FB6]  }
0x2e: {  	s3 =	simm.s32 @!p0 $0x1082;
	s9 =	sld [smem:$0x3FB7]  }
0x2f: {  	lr =	sadd.s32 s0, s3;
	s0 =	sld [smem:$0x3FAE]  }
0x30: {  	s3 =	sld [smem:$0x3FB1]  }
0x31: {  	[smem:$0x3FBA] =	sst s10  }
0x32: {  	s10 =	sld [smem:$0x3FB8];
	_ =	sdelay $0x3  }
0x33: {  	p0 =	seq.s32 s10, $0x1;
	s10 =	sld [smem:$0x3FBA];
	_ =	sdelay $0x3  }
0x34: {  	[smem:$0x3FBA] =	sst s10  }
0x35: {  	s10 =	sld [smem:$0x3FB9];
	_ =	sdelay $0x3  }
0x36: {  	p1 =	seq.s32 s10, $0x1;
	s10 =	sld [smem:$0x3FBA];
	_ =	sdelay $0x3  }
0x37: {  	[smem:$0x3FBA] =	sst s10  }
0x38: {  	s10 =	sld [smem:$0x3FBB]  }
0x39: {  	_ = 	snop;
	(pc) =	sbr.ind lr, $3  }
0x3a: {  	_ = 	snop  }
0x3b: {  	_ = 	snop  }
0x3c: {  	p2 =	seq.s32 s10, $0x1;
	s10 =	sld [smem:$0x3FBA]  }
0x3d: {  	_ =	shalt  }
0x3e: {  	_ =	shalt  }
0x3f: {  	_ =	shalt  }
0x40: {  	_ =	shalt  }
0x41: {  	_ =	shalt  }
0x42: {  	_ =	shalt  }
0x43: {  	_ =	shalt  }
0x44: {  	_ =	shalt  }
0x45: {  	_ =	shalt  }
0x46: {  	_ =	shalt  }
0x47: {  	_ =	shalt  }
0x48: {  	_ =	shalt  }
0x49: {  	_ =	shalt  }
0x4a: {  	_ =	shalt  }
0x4b: {  	_ =	shalt  }
0x4c: {  	_ =	shalt  }
0x4d: {  	_ =	shalt  }
0x4e: {  	_ =	shalt  }
0x4f: {  	_ =	shalt  }
0x50: {  	_ =	shalt  }
0x51: {  	_ =	shalt  }
0x52: {  	_ =	shalt  }
0x53: {  	_ =	shalt  }
0x54: {  	_ =	shalt  }
0x55: {  	_ =	shalt  }
0x56: {  	_ =	shalt  }
0x57: {  	_ =	shalt  }
0x58: {  	_ =	shalt  }
0x59: {  	_ =	shalt  }
0x5a: {  	_ =	shalt  }
0x5b: {  	_ =	shalt  }
0x5c: {  	_ =	shalt  }
0x5d: {  	_ =	shalt  }
0x5e: {  	_ =	shalt  }
0x5f: {  	_ =	shalt  }
0x60: {  	_ =	shalt  }
0x61: {  	_ =	shalt  }
0x62: {  	_ =	shalt  }
0x63: {  	_ =	shalt  }
0x64: {  	_ =	shalt  }
0x65: {  	_ =	shalt  }
0x66: {  	_ =	shalt  }
0x67: {  	_ =	shalt  }
0x68: {  	_ =	shalt  }
0x69: {  	_ =	shalt  }
0x6a: {  	_ =	shalt  }
0x6b: {  	_ =	shalt  }
0x6c: {  	_ =	shalt  }
0x6d: {  	_ =	shalt  }
0x6e: {  	_ =	shalt  }
0x6f: {  	_ =	shalt  }
0x70: {  	_ =	shalt  }
0x71: {  	_ =	shalt  }
0x72: {  	_ =	shalt  }
0x73: {  	_ =	shalt  }
0x74: {  	_ =	shalt  }
0x75: {  	_ =	shalt  }
0x76: {  	_ =	shalt  }
0x77: {  	_ =	shalt  }
0x78: {  	_ =	shalt  }
0x79: {  	_ =	shalt  }
0x7a: {  	_ =	shalt  }
0x7b: {  	_ =	shalt  }
0x7c: {  	_ =	shalt  }
0x7d: {  	_ =	shalt  }
0x7e: {  	_ =	shalt  }
0x7f: {  	_ =	shalt  }
0x80: {  	_ =	shalt  }
0x81: {  	_ =	shalt  }
0x82: {  	_ =	shalt  }
0x83: {  	_ =	shalt  }
0x84: {  	_ =	shalt  }
0x85: {  	_ =	shalt  }
0x86: {  	_ =	shalt  }
0x87: {  	_ =	shalt  }
.Lfunc_end0:
.L_simem_size_0:
called_computation_lowered:
.L_overlay_start_0:
0x88: {  	s2 =	sld [smem:$0x3FD9]  }
0x89: {  	s3 =	sld [smem:$0x3FFE];
	_ =	sdelay $0x1  }
0x8a: {  	s1 =	srdreg.scid  }
0x8b: {  	s0 =	sand.u32 $0x1, s1  }
0x8c: {  	s14 =	sshll.u32 s0, $0xA;
	s2 =	sadd.s32 s3, s2  }
0x8d: {  	s2 =	sadd.s32 s2, s14  }
0x8e: {  	[smem:$0x3FC6] =	sst s2  }
0x8f: {  	_ = 	snop  }
0x90: {  	s2 =	sld [smem:$0x3FD0];
	_ =	sdelay $0x2  }
0x91: {  	s15 =	simm.s32 $0xA;
	s4 =	simm.s32 $0x10  }
0x92: {  	[smem:s4], [sflag:s15] =	dma.local [hbm:s2], $0x1  }
0x93: {  	_ =	swait.eq [sflag:s15], $0x1  }
0x94: {  	[sflag:s15] =	ssyncset.done $0x0  }
0x95: {  	[sflag:s15] =	ssyncadd.s32 $0xFFFFFFFF  }
0x96: {  	s16 =	sld [smem:$0x10];
	(tm) =	ssettm $0x1  }
0x97: {  	s17 =	sld [smem:$0x3FFB];
	_ =	sdelay $0x3  }
0x98: {  	_ =	strace s17  }
0x99: {  	s3 =	sld [smem:$0x3FFC];
	_ =	sdelay $0x3  }
0x9a: {  	_ =	strace s3  }
0x9b: {  	s3 =	sld [smem:$0x3FFD];
	_ =	sdelay $0x3  }
0x9c: {  	_ =	strace s3  }
0x9d: {  	_ =	strace $0x8FFFFFFF  }
0x9e: {  	s18 =	sld [smem:$0x3FDB];
	_ =	sdelay $0x1  }
0x9f: {  	s19 =	simm.s32 $_scs_section_size  }
0xa0: {  	s5 =	simm.s32 $_size__tile_overlayer_lowered;
	s6 =	simm.s32 $_tile_overlayer_lowered  }
0xa1: {  	s22 =	simm.s32 $0x1BFF;
	s21 =	sshll.u32 s6, $0x1;
	s3 =	sadd.s32 s19, s18  }
0xa2: {  	s7 =	simm.s32 $0x0;
	s20 =	sshll.u32 s5, $0x1;
	s5 =	sadd.s32 s21, s3  }
0xa3: {  	[timem:s7], [sflag:s22] =	dma.local [hbm:s5], s20  }
0xa4: {  	_ =	swait.ge [sflag:s22], s20  }
0xa5: {  	s4 =	ssub.s32 $0x0, s20;
	[sflag:s22] =	ssyncset.done $0x0  }
0xa6: {  	[sflag:s22] =	ssyncadd.s32 s4;
	_ =	sdelay $0x1  }
0xa7: {  	s23 =	simm.s32 $0x1B8B  }
0xa8: {  	_ =	swait.ge [sflag:s23], $0x1  }
0xa9: {  	[sflag:s23] =	ssyncset.done $0x0  }
0xaa: {  	s25 =	simm.s32 $0x1B8E;
	s24 =	sld [smem:$0x3FFE];
	[sflag:s23] =	ssyncadd.s32 $0xFFFFFFFF  }
0xab: {  	s26 =	simm.s32 $execute0_lowered;
	[smem:$0x3FD2] =	sst s25  }
0xac: {  	s5 =	sshll.u32 s26, $0x1;
	_ =	strace $0x80000049;
	[dreg:$0x1] =	wrdreg $0xFFFFFFFF  }
0xad: {  	s28 =	simm.s32 $_size_execute0_lowered;
	s3 =	sadd.s32 s3, s5;
	[dreg:$0x0] =	wrdreg $0x0  }
0xae: {  	s5 =	sshll.u32 s28, $0x1;
	[dreg:$0x2] =	wrdreg s3  }
0xaf: {  	[dreg:$0x3] =	wrdreg s5  }
0xb0: {  	[dreg:$0x4] =	wrdreg $0xC0  }
0xb1: {  	_ =	task [dreg:s7], $0x5FFFF  }
0xb2: {  	[dreg:$0x1] =	wrdreg $0xFFFFFFFF  }
0xb3: {  	[dreg:$0x0] =	wrdreg $0x60  }
0xb4: {  	[dreg:$0x2] =	wrdreg s24  }
0xb5: {  	[dreg:$0x3] =	wrdreg s16  }
0xb6: {  	[dreg:$0x4] =	wrdreg $0x9  }
0xb7: {  	_ =	task.clear_ibuf [dreg:s7], $0x5FFFF;
	_ =	strace $0x90000049  }
0xb8: {  	s29 =	simm.s32 $0x9;
	_ =	strace $0x8000004B  }
0xb9: {  	_ =	swait.ge [sflag:s29], $0x1  }
0xba: {  	[sflag:s29] =	ssyncadd.s32 $0xFFFFFFFF  }
0xbb: {  	_ =	strace $0x9000004B  }
0xbc: {  	_ =	sfence  }
0xbd: {  	s30 =	sld [smem:$0x0];
	_ =	sdelay $0x2  }
0xbe: {  	s31 =	sshll.u32 s1, $0xD;
	s1 =	sshrl.u32 s1, $0x2  }
0xbf: {  	s3 =	sand.u32 $0x4000, s31;
	s1 =	sadd.s32 s1, s30  }
0xc0: {  	s0 =	sor.u32 s3, s0;
	s1 =	sshll.u32 s1, $0x11  }
0xc1: {  	s0 =	sor.u32 s1, s0  }
0xc2: {  	s0 =	sadd.s32 $0x8F2B, s0  }
0xc3: {  	[sflag:s0] =	ssyncadd.remote.s32 $0x1  }
0xc4: {  	_ =	sfence.sel $0xFFFF  }
0xc5: {  	[dreg:$0x0] =	wrdreg $0xFFFFFFFF;
	(pc) =	sbr.abs _section_cstart, $3  }
0xc6: {  	[dreg:$0x1] =	wrdreg $0xFFFFFFFF  }
0xc7: {  	_ =	task.clear_ibuf [dreg:s7], $0x2FFFF;
	_ =	strace $0x9FFFFFFF  }
0xc8: {  	(tm) =	ssettm $0x7FFFFFFF  }
0xc9: {  	_ =	shalt  }
tec
execute0_lowered:
.L_overlay_start_1:
0x0: {  	(tag) =	ssettag $0x1  }
0x1: {  	s7 =	rddreg [dreg:$0x0]  }
0x2: {  	s2 =	rddreg [dreg:$0x1]  }
0x3: {  	s0 =	rddreg [dreg:$0x2]  }
0x4: {  	s1 =	srdreg.scid;
	_ =	strace $0x8000004A;
	s4 =	simm.s32 $0x1  }
0x5: {  	s9 =	simm.s32 $0x3;
	s12 =	simm.s32 $0x0;
	s5 =	sshll.u32 s1, $0x4  }
.Ltmp0:
0x6: {  	s1 =	stileid.u32;
	s5 =	sand.u32 $0x10, s5;
	(pc) =	sbr.rel .LBB2_1-.Ltmp0, $4  }
0x7: {  	s10 =	simm.s32 $0x0;
	s3 =	sadd.s32 $0x2C00, s7;
	s6 =	sor.u32 s1, s5  }
0x8: {  	[sflag:s4] =	ssyncpa.u1 $0x0;
	s5 =	simm.s32 $0x2;
	s6 =	sshll.u32 s6, $0x8  }
0x9: {  	s7 =	sadd.s32 $0x13B400, s7;
	[sflag:s5] =	ssyncpa.u1 $0x0;
	s8 =	sadd.s32 $0x100, s6  }
0xa: {  	vm0 =	vmmov $0xff;
	vm1 =	vcmask $0x3F20;
	[sflag:s9] =	ssyncpa.u1 $0x0;
	s9 =	simm.s32 $0x100;
	s11 =	smov.u32 s6  }
.LBB2_9:
0xb: {  	p0 =	seq.s32 s10, $0x2  }
.Ltmp1:
0xc: {  	_ = 	snop;
	(pc) =	sbr.rel @p0 .LBB2_11-.Ltmp1, $1  }
0xd: {  	_ =	sdelay $0x3  }
.LBB2_10:
0xe: {  	s12 =	sadd.s32 $0x100, s11  }
0xf: {  	s13 =	smov.u32 s6;
	p0 =	slt.s32 s12, s8  }
0x10: {  	s13 =	smov.u32 @p0 s12  }
0x11: {  	s10 =	sadd.s32 $0x1, s10;
	s12 =	smov.u32 s11;
	s11 =	smov.u32 s13  }
.LBB2_1:
0x12: {  	p0 =	sne.s32 s10, $0x0  }
.Ltmp2:
0x13: {  	_ = 	snop;
	(pc) =	sbr.rel @!p0 .LBB2_2-.Ltmp2, $1  }
0x14: {  	_ =	sdelay $0x3  }
0x15: {  	s13 =	sand.u32 $0x1, s10  }
0x16: {  	p0 =	seq.s32 s13, $0x0  }
.Ltmp3:
0x17: {  	_ = 	snop;
	(pc) =	sbr.rel @p0 .LBB2_9-.Ltmp3, $1  }
0x18: {  	_ =	sdelay $0x3  }
0x19: {  	_ =	swait.ge [sflag:s5], $0x100  }
0x1a: {  	[sflag:s5] =	ssyncset.done $0x0  }
0x1b: {  	s13 =	simm.s32 $0x0;
	[sflag:s5] =	ssyncadd.s32 $0xFFFFFF00  }
0x1c: {  	v0 =	vld.msk [tilespmem:s13+$0x100 ss:$0x1], $0xffff;
	_ =	sdelay $0x4  }
0x1d: {  	v1 =	vand.u32 $0x3, v0;
	v2 =	vshll.u32 v0, $0x5  }
0x1e: {  	vm2 =	veq.s32 v0, $0x80000000;
	v0 =	vmul.u32 $0x271000, v1;
	v1 =	vand.u32 $0x3FFF80, v2  }
0x1f: {  	v1 =	vsel vm2, $0xFFFFFF80, v1  }
0x20: {  	v0 =	vsel vm2, $0xFFD8F000, v0;
	v2 =	vand.u32 $0xFFFFFC00, v1  }
0x21: {  	v1 =	vand.u32 $0x380, v1;
	v0 =	vadd.s32 v0, v2  }
0x22: {  	v0 =	vor.u32 v1, v0  }
0x23: {  	v0 =	vshrl.u32 v0, $0x3;
	_ =	sdelay $0x3  }
0x24: {  	s13 =	simm.s32 $0x8200  }
0x25: {  	[tilespmem:s13], [sflag:$0x1] =	stream.indirect_vreg.gather [hbm:s3], $0x80, v0, vm0, $0x38;
	[tilespmem:$0x10200] =	vst v63  }
0x26: {  	s14 =	simm.s32 $0x8600;
	s31 =	simm.s32 $0x10  }
0x27: {  	[tilespmem:s14], [sflag:$0x1] =	stream.indirect_vreg.gather [hbm:s3], $0x80, v0, vm1, $0x38;
	[tilespmem:$0x10200] =	vst v63  }
0x28: {  	s14 =	simm.s32 $0x80;
	v0 =	vld.msk [tilespmem:s31+$0x100 ss:$0x1], $0xffff  }
.LBB2_5:
0x29: {  	p0 =	sne.s32 s14, $0x3C0;
	_ =	sdelay $0x4  }
0x2a: {  	v1 =	vand.u32 $0x3, v0;
	v2 =	vshll.u32 v0, $0x5  }
0x2b: {  	vm2 =	veq.s32 v0, $0x80000000;
	v0 =	vmul.u32 $0x271000, v1;
	v1 =	vand.u32 $0x3FFF80, v2  }
0x2c: {  	v1 =	vsel vm2, $0xFFFFFF80, v1  }
0x2d: {  	v0 =	vsel vm2, $0xFFD8F000, v0;
	v2 =	vand.u32 $0xFFFFFC00, v1  }
0x2e: {  	v1 =	vand.u32 $0x380, v1;
	v0 =	vadd.s32 v0, v2  }
0x2f: {  	v0 =	vor.u32 v1, v0  }
0x30: {  	v0 =	vshrl.u32 v0, $0x3;
	_ =	sdelay $0x3  }
.Ltmp4:
0x31: {  	s13 =	sadd.s32 $0x800, s13;
	(pc) =	sbr.rel @p0 .LBB2_5-.Ltmp4, $4  }
0x32: {  	[tilespmem:s13], [sflag:$0x1] =	stream.indirect_vreg.gather [hbm:s3], $0x80, v0, vm0, $0x38;
	[tilespmem:$0x10200] =	vst v63  }
0x33: {  	s15 =	sshra.s32 s14, $0x2;
	s16 =	sadd.s32 $0x400, s13  }
0x34: {  	[tilespmem:s16], [sflag:$0x1] =	stream.indirect_vreg.gather [hbm:s3], $0x80, v0, vm1, $0x38;
	[tilespmem:$0x10200] =	vst v63  }
0x35: {  	s14 =	sadd.s32 $0x40, s14;
	v0 =	vld.msk [tilespmem:s15+$0x100 ss:$0x1], $0xffff  }
0x36: {  	_ =	sdelay $0x3  }
0x37: {  	v1 =	vand.u32 $0x3, v0;
	v2 =	vshll.u32 v0, $0x5  }
0x38: {  	vm2 =	veq.s32 v0, $0x80000000;
	v61 =	vmul.u32 $0x271000, v1;
	v62 =	vand.u32 $0x3FFF80, v2  }
0x39: {  	v1 =	vsel vm2, $0xFFFFFF80, v62  }
0x3a: {  	v0 =	vsel vm2, $0xFFD8F000, v61;
	v63 =	vand.u32 $0xFFFFFC00, v1  }
0x3b: {  	v1 =	vand.u32 $0x380, v1;
	v0 =	vadd.s32 v0, v63  }
0x3c: {  	v0 =	vor.u32 v1, v0  }
0x3d: {  	v0 =	vshrl.u32 v0, $0x3;
	_ =	sdelay $0x3  }
0x3e: {  	s13 =	sadd.s32 $0x800, s13  }
0x3f: {  	[tilespmem:s13], [sflag:$0x1] =	stream.indirect_vreg.gather [hbm:s3], $0x80, v0, vm0, $0x38;
	[tilespmem:$0x10200] =	vst v63  }
0x40: {  	s13 =	sadd.s32 $0x400, s13  }
0x41: {  	[tilespmem:s13], [sflag:$0x1] =	stream.indirect_vreg.gather [hbm:s3], $0x80, v0, vm1, $0x38;
	[tilespmem:$0x10200] =	vst v63  }
0x42: {  	s12 =	sshll.u32 s12, $0x4;
	s14 =	simm.s32 $0x80;
	_ =	swait.ge [sflag:s4], $0x8000  }
0x43: {  	s15 =	simm.s32 $0x8600;
	s12 =	sadd.s32 s12, s7;
	[sflag:s4] =	ssyncset.done $0x0  }
0x44: {  	s16 =	sadd.s32 $0x0, s12;
	s13 =	simm.s32 $0x8200;
	[sflag:s4] =	ssyncadd.s32 $0xFFFF8000  }
.LBB2_7:
0x45: {  	[hbm:s16] =	stream.linear.scatter [tilespmem:s13], [sflag:$0x3], $0x400, $0x38;
	[tilespmem:$0x10200] =	vst v63  }
0x46: {  	s16 =	smov.u32 s14;
	s13 =	smov.u32 s15;
	p0 =	sne.s32 s14, $0xF80  }
.Ltmp5:
0x47: {  	s14 =	sadd.s32 $0x80, s14;
	(pc) =	sbr.rel @p0 .LBB2_7-.Ltmp5, $2  }
0x48: {  	_ =	sdelay $0x2  }
0x49: {  	s15 =	sadd.s32 $0x400, s15;
	s16 =	sadd.s32 s16, s12  }
.Ltmp6:
0x4a: {  	(pc) =	sbr.rel .LBB2_9-.Ltmp6, $2  }
0x4b: {  	_ =	sdelay $0x2  }
0x4c: {  	[hbm:s16] =	stream.linear.scatter [tilespmem:s13], [sflag:$0x3], $0x400, $0x38;
	[tilespmem:$0x10200] =	vst v63  }
.LBB2_2:
.Ltmp7:
0x4d: {  	(pc) =	sbr.rel .LBB2_10-.Ltmp7, $4  }
0x4e: {  	_ = 	snop  }
0x4f: {  	s12 =	sshrl.u32 s11, $0x3  }
0x50: {  	s13 =	sand.u32 $0x7, s11;
	s12 =	sadd.s32 s2, s12  }
0x51: {  	[tilespmem:s9], [sflag:$0x2] =	stream.linear.gather [hbm4b:s12+s13], $0x100, $0x38;
	[tilespmem:$0x10200] =	vst v63  }
.LBB2_11:
0x52: {  	s2 =	simm.s32 $0x3  }
0x53: {  	_ =	swait.ge [sflag:s2], $0x8000  }
0x54: {  	[sflag:s2] =	ssyncset.done $0x0  }
0x55: {  	[sflag:s2] =	ssyncadd.s32 $0xFFFF8000  }
0x56: {  	_ =	sfence.sel $0x180000  }
0x57: {  	s3 =	simm.s32 $0x2;
	[bflag:$0x0] =	sbarrier.arrive $0xFFFF  }
0x58: {  	[sflag:s3] =	ssyncpa.u1 $0x1  }
0x59: {  	s31 =	simm.s32 $0x1;
	[sflag:s2] =	ssyncpa.u1 $0x1  }
0x5a: {  	[sflag:s31] =	ssyncpa.u1 $0x1  }
0x5b: {  	p0 =	sne.s32 s1, $0x0;
	_ =	strace $0x9000004A  }
0x5c: {  	s0 =	sadd.s32 @!p0 $0x100000, s0;
	[bflag:$0x2] =	sbarrier.arrive $0xFFFF  }
0x5d: {  	[sflag:s0] =	ssyncadd.tile.s32 @!p0 $0x1;
	_ =	shalt  }
.Lfunc_end2:
_tile_overlayer_lowered:
.L_overlay_start_2:
0x5e: {  	(tag) =	ssettag $0x2  }
0x5f: {  	s0 =	rddreg [dreg:$0x0];
	s2 =	stileid.u32  }
0x60: {  	s1 =	rddreg [dreg:$0x1];
	p0 =	sne.s32 s2, $0x0  }
0x61: {  	s3 =	rddreg [dreg:$0x2];
	[bflag:$0x3] =	sbarrier.arrive $0xFFFF;
	s2 =	simm.s32 @!p0 $0x1C01  }
0x62: {  	[timem:s3], [sflag:s2] =	dma.local @!p0 [hbm:s0], s1  }
0x63: {  	s0 =	simm.s32 @!p0 $0x1  }
0x64: {  	_ =	swait.ge @!p0 [sflag:s0], s1  }
0x65: {  	s1 =	ssub.s32 @!p0 $0x0, s1;
	[sflag:s0] =	ssyncset.done @!p0 $0x0  }
0x66: {  	[sflag:s0] =	ssyncadd.s32 @!p0 s1  }
0x67: {  	[bflag:$0x3] =	sbarrier.arrive $0xFFFF  }
0x68: {  	_ =	shalt  }

</sc_bundles>
